<compile_context>
chip_gen: v7x
topology: tpu7x:2x2x1
jax: 0.10.2.dev20260603
libtpu: 0.0.44.dev20260713+nightly
codegen_flags: <defaults>
</compile_context>

<pallas_src>
import functools

import numpy as np
import jax
import jax.numpy as jnp
from jax import lax
from jax.experimental import pallas as pl
from jax.experimental.pallas import tpu as pltpu
from jax.experimental.pallas import tpu_sc as plsc

NUM_LOCATIONS = 1000000
BASE_DIM = 64
BANDWIDTH = 0.5
BATCH = 4096
SEQ_LEN = 50

NUM_CORES = 2
NUM_SUBCORES = 16
NW = NUM_CORES * NUM_SUBCORES
BLK = BATCH // NW

_t = np.arange(24, dtype=np.float32)
_absdiff = np.abs(_t[None, :] - _t[:, None])
_dist = np.minimum(_absdiff, 24.0 - _absdiff)
_W_SMOOTH = np.exp(-0.5 * (_dist / BANDWIDTH) ** 2).astype(np.float32)

_sc_mesh = plsc.VectorSubcoreMesh(core_axis_name="c", subcore_axis_name="s")


@functools.partial(
    pl.kernel,
    out_type=jax.ShapeDtypeStruct((SEQ_LEN, BASE_DIM, BATCH), jnp.float32),
    mesh=_sc_mesh,
    scratch_types=[
        pltpu.VMEM((SEQ_LEN, BLK), jnp.int32),
        pltpu.VMEM((4, BLK, 128), jnp.float32),
        pltpu.VMEM((4, BASE_DIM, BLK), jnp.float32),
        pltpu.SemaphoreType.DMA,
        pltpu.SemaphoreType.DMA,
        pltpu.SemaphoreType.DMA,
        pltpu.SemaphoreType.DMA,
        pltpu.SemaphoreType.DMA,
        pltpu.SemaphoreType.DMA,
        pltpu.SemaphoreType.DMA,
        pltpu.SemaphoreType.DMA,
    ],
    compiler_params=pltpu.CompilerParams(needs_layout_passes=False),
)
def _sc_gather(idx_hbm, tbl_hbm, out_hbm, idx_v, rows_v, outt_v,
               g0, g1, g2, g3, o0, o1, o2, o3):
    gsems = (g0, g1, g2, g3)
    osems = (o0, o1, o2, o3)
    wid = lax.axis_index("s") * NUM_CORES + lax.axis_index("c")
    b0 = wid * BLK
    pltpu.sync_copy(idx_hbm.at[:, pl.ds(b0, BLK)], idx_v)

    lanes = lax.iota(jnp.int32, 16)

    def start_gather(s, slot):
        pltpu.async_copy(tbl_hbm.at[idx_v.at[s]], rows_v.at[slot], gsems[slot])

    def wait_gather(s, slot):
        pltpu.make_async_copy(tbl_hbm.at[idx_v.at[s]], rows_v.at[slot],
                              gsems[slot]).wait()

    def transpose_block(slot):
        rows = rows_v.at[slot]
        out = outt_v.at[slot]

        def dloop(d, _):
            for g4 in range(BLK // 64):
                vals = [plsc.load_gather(
                            rows, [lanes + (64 * g4 + 16 * k),
                                   jnp.full((16,), d, dtype=jnp.int32)])
                        for k in range(4)]
                for k in range(4):
                    out[d, pl.ds(64 * g4 + 16 * k, 16)] = vals[k]
            return ()

        lax.fori_loop(0, BASE_DIM, dloop, ())

    def start_write(s, slot):
        pltpu.async_copy(outt_v.at[slot], out_hbm.at[s, :, pl.ds(b0, BLK)],
                         osems[slot])

    def wait_write(s, slot):
        pltpu.make_async_copy(outt_v.at[slot], out_hbm.at[s, :, pl.ds(b0, BLK)],
                              osems[slot]).wait()

    for s in range(4):
        start_gather(s, s)

    def quad_body(i, _):
        c0 = i * 4
        for k in range(4):
            c = c0 + k

            @pl.when(c < SEQ_LEN)
            def _():
                wait_gather(c, k)

                @pl.when(c >= 4)
                def _():
                    wait_write(c - 4, k)
                transpose_block(k)
                start_write(c, k)

                @pl.when(c + 4 < SEQ_LEN)
                def _():
                    start_gather(c + 4, k)
        return ()

    lax.fori_loop(0, (SEQ_LEN + 3) // 4, quad_body, ())
    wait_write(SEQ_LEN - 4, 2)
    wait_write(SEQ_LEN - 3, 3)
    wait_write(SEQ_LEN - 2, 0)
    wait_write(SEQ_LEN - 1, 1)


def _smooth_body(w_ref, t_ref, o_ref):
    o_ref[...] = jnp.dot(w_ref[...], t_ref[...],
                         preferred_element_type=jnp.float32)


def kernel(location_x, loc_table, user_table, time_table):
    idx_t = location_x.astype(jnp.int32).T
    tbl_pad = jnp.pad(loc_table, ((0, 0), (0, BASE_DIM)))
    out_t = _sc_gather(idx_t, tbl_pad)
    loc_embedded = out_t.transpose(2, 0, 1)
    smoothed = pl.pallas_call(
        _smooth_body,
        out_shape=jax.ShapeDtypeStruct((24, BASE_DIM), jnp.float32),
    )(jnp.asarray(_W_SMOOTH), time_table)
    return (loc_embedded, time_table, smoothed, user_table)

# --- scband reference (transcript-rebuilt; emitter-appended) ---
"""Pipeline reference for scband-multimodal-contextual-embedding-62577673503498 (READ-ONLY COPY).

The authoritative reference and input builder live on the scoring server;
editing this copy changes nothing except your own understanding.
"""

import jax, jax.numpy as jnp
import numpy as np

NUM_LOCATIONS = 1000000
NUM_USERS = 100000
BASE_DIM = 64
BANDWIDTH = 0.5
BATCH = 4096
SEQ_LEN = 50

def setup_inputs(seed: int = 0) -> dict:
    key = jax.random.key(seed)
    k1, k2, k3, k4 = jax.random.split(key, 4)
    location_x = jax.random.randint(k1, (BATCH, SEQ_LEN), 0, NUM_LOCATIONS, dtype=jnp.int64 if jax.config.jax_enable_x64 else jnp.int32)
    loc_table = jax.random.normal(k2, (NUM_LOCATIONS, BASE_DIM), dtype=jnp.float32)
    user_table = jax.random.normal(k3, (NUM_USERS, BASE_DIM), dtype=jnp.float32)
    time_table = jax.random.normal(k4, (24, BASE_DIM), dtype=jnp.float32)
    return {"location_x": location_x, "loc_table": loc_table, "user_table": user_table, "time_table": time_table}

def reference(location_x, loc_table, user_table, time_table):
    # location embedding lookup: [B, S, D]
    loc_embedded = jnp.take(loc_table, location_x, axis=0)
    # user embeddings for all users: [num_users, D]
    user_embedded = jnp.take(user_table, jnp.arange(NUM_USERS), axis=0)
    # raw timeslot embeddings for all 24 hours: [24, D]
    timeslot_embedded = jnp.take(time_table, jnp.arange(24), axis=0)
    # gaussian kernel smoothing with periodicity (period 24)
    t = jnp.arange(24, dtype=jnp.float32)
    tn = t[:, None]  # [24, 1] target slots
    absdiff = jnp.abs(t[None, :] - tn)  # [24, 24]
    dist = jnp.minimum(absdiff, 24.0 - absdiff)
    kernel_weights = jnp.exp(-0.5 * (dist / BANDWIDTH) ** 2)  # [24, 24]
    # smoothed[tn] = sum_t kernel_weights[tn, t] * timeslot_embedded[t]
    smoothed_timeslot_embedded = kernel_weights @ timeslot_embedded  # [24, D]
    return (loc_embedded, timeslot_embedded, smoothed_timeslot_embedded, user_embedded)

if __name__ == "__main__":
    import jax
    _d = setup_inputs()
    print(jax.jit(kernel)(*tuple(_d.values())))

</pallas_src>

<mosaic_0001>
#map = affine_map<(d0, d1) -> (0, 0)>
#map1 = affine_map<(d0, d1) -> (0, 0, 0)>
module attributes {stable_mosaic.version = 14 : i64} {
  func.func @_sc_gather(%arg0: i32, %arg1: i32, %arg2: memref<50x4096xi32, #tpu.memory_space<hbm>>, %arg3: memref<1000000x128xf32, #tpu.memory_space<hbm>>, %arg4: memref<50x64x4096xf32, #tpu.memory_space<hbm>>, %arg5: memref<50x128xi32, #tpu.memory_space<vmem>>, %arg6: memref<4x128x128xf32, #tpu.memory_space<vmem>>, %arg7: memref<4x64x128xf32, #tpu.memory_space<vmem>>, %arg8: memref<!tpu.dma_semaphore, #tpu.memory_space<semaphore_mem>>, %arg9: memref<!tpu.dma_semaphore, #tpu.memory_space<semaphore_mem>>, %arg10: memref<!tpu.dma_semaphore, #tpu.memory_space<semaphore_mem>>, %arg11: memref<!tpu.dma_semaphore, #tpu.memory_space<semaphore_mem>>, %arg12: memref<!tpu.dma_semaphore, #tpu.memory_space<semaphore_mem>>, %arg13: memref<!tpu.dma_semaphore, #tpu.memory_space<semaphore_mem>>, %arg14: memref<!tpu.dma_semaphore, #tpu.memory_space<semaphore_mem>>, %arg15: memref<!tpu.dma_semaphore, #tpu.memory_space<semaphore_mem>>) attributes {dimension_semantics = [#tpu.dimension_semantics<core_parallel>, #tpu.dimension_semantics<subcore_parallel>], iteration_bounds = array<i64: 2, 16>, scalar_prefetch = 0 : i64, scratch_operands = 11 : i64, tpu.core_type = #tpu.core_type<sc_vector_subcore>, window_params = [{transform_indices = #map}, {transform_indices = #map}, {transform_indices = #map1}]} {
    %mul3A = arith.constant 2 : i32
    %mul3A_0 = arith.muli %arg1, %mul3A : i32
    %add3A = arith.addi %mul3A_0, %arg0 : i32
    %mul3A_1 = arith.constant 128 : i32
    %mul3A_2 = arith.muli %add3A, %mul3A_1 : i32
    "tpu.region"() ({
      %run_scoped3A = tpu.sem_alloc : memref<!tpu.dma_semaphore, #tpu.memory_space<semaphore_mem>>
      %dma_start3A_117 = arith.constant 0 : i32
      %dma_start3A_118 = tpu.memref_slice %arg2[%dma_start3A_117, %mul3A_2] : memref<50x4096xi32, #tpu.memory_space<hbm>> -> memref<50x128xi32, #tpu.memory_space<hbm>>
      %dma_start3A_119 = arith.constant 0 : i32
      %dma_start3A_120 = tpu.memref_slice %arg2[%dma_start3A_119, %mul3A_2] : memref<50x4096xi32, #tpu.memory_space<hbm>> -> memref<50x128xi32, #tpu.memory_space<hbm>>
      tpu.enqueue_dma source(%dma_start3A_120 : memref<50x128xi32, #tpu.memory_space<hbm>>) target(%arg5 : memref<50x128xi32, #tpu.memory_space<vmem>>) target_semaphore(%run_scoped3A : memref<!tpu.dma_semaphore, #tpu.memory_space<semaphore_mem>>)
      %dma_wait3A_121 = arith.constant 0 : i32
      %dma_wait3A_122 = tpu.memref_slice %arg2[%dma_wait3A_121, %mul3A_2] : memref<50x4096xi32, #tpu.memory_space<hbm>> -> memref<50x128xi32, #tpu.memory_space<hbm>>
      %dma_wait3A_123 = arith.constant 0 : i32
      %dma_wait3A_124 = tpu.memref_slice %arg2[%dma_wait3A_123, %mul3A_2] : memref<50x4096xi32, #tpu.memory_space<hbm>> -> memref<50x128xi32, #tpu.memory_space<hbm>>
      tpu.wait_dma2 semaphore(%run_scoped3A : memref<!tpu.dma_semaphore, #tpu.memory_space<semaphore_mem>>) src(%dma_wait3A_124 : memref<50x128xi32, #tpu.memory_space<hbm>>) dst(%arg5 : memref<50x128xi32, #tpu.memory_space<vmem>>)
      tpu.yield
    }) : () -> ()
    %iota3A = tpu.iota {dimensions = array<i32: 0>} : vector<16xi32>
    %dma_start3A = arith.constant 0 : i32
    %dma_start3A_3 = arith.constant 0 : i32
    %dma_start3A_4 = arith.constant 0 : i32
    %dma_start3A_5 = arith.constant 0 : i32
    %dma_start3A_6 = tpu.memref_slice %arg6[%dma_start3A_3, %dma_start3A_4, %dma_start3A_5] : memref<4x128x128xf32, #tpu.memory_space<vmem>> -> memref<1x128x128xf32, #tpu.memory_space<vmem>>
    %dma_start3A_7 = tpu.memref_squeeze %dma_start3A_6 : memref<1x128x128xf32, #tpu.memory_space<vmem>> -> memref<128x128xf32, #tpu.memory_space<vmem>>
    %dma_start3A_8 = arith.constant 0 : i32
    %dma_start3A_9 = tpu.memref_slice %arg5[%dma_start3A, %dma_start3A_8] : memref<50x128xi32, #tpu.memory_space<vmem>> -> memref<1x128xi32, #tpu.memory_space<vmem>>
    %dma_start3A_10 = tpu.memref_squeeze %dma_start3A_9 : memref<1x128xi32, #tpu.memory_space<vmem>> -> memref<128xi32, #tpu.memory_space<vmem>>
    %dma_start3A_11 = arith.constant 0 : i32
    %dma_start3A_12 = arith.constant 0 : i32
    %dma_start3A_13 = tpu.memref_slice %arg3[%dma_start3A_11, %dma_start3A_12] : memref<1000000x128xf32, #tpu.memory_space<hbm>> -> memref<1000000x128xf32, #tpu.memory_space<hbm>>
    tpu.enqueue_indirect_dma source(%dma_start3A_13 : memref<1000000x128xf32, #tpu.memory_space<hbm>>) target(%dma_start3A_7 : memref<128x128xf32, #tpu.memory_space<vmem>>) offsets(%dma_start3A_10 : memref<128xi32, #tpu.memory_space<vmem>>) semaphore(%arg8 : memref<!tpu.dma_semaphore, #tpu.memory_space<semaphore_mem>>)
    %dma_start3A_14 = arith.constant 1 : i32
    %dma_start3A_15 = arith.constant 1 : i32
    %dma_start3A_16 = arith.constant 0 : i32
    %dma_start3A_17 = arith.constant 0 : i32
    %dma_start3A_18 = tpu.memref_slice %arg6[%dma_start3A_15, %dma_start3A_16, %dma_start3A_17] : memref<4x128x128xf32, #tpu.memory_space<vmem>> -> memref<1x128x128xf32, #tpu.memory_space<vmem>>
    %dma_start3A_19 = tpu.memref_squeeze %dma_start3A_18 : memref<1x128x128xf32, #tpu.memory_space<vmem>> -> memref<128x128xf32, #tpu.memory_space<vmem>>
    %dma_start3A_20 = arith.constant 0 : i32
    %dma_start3A_21 = tpu.memref_slice %arg5[%dma_start3A_14, %dma_start3A_20] : memref<50x128xi32, #tpu.memory_space<vmem>> -> memref<1x128xi32, #tpu.memory_space<vmem>>
    %dma_start3A_22 = tpu.memref_squeeze %dma_start3A_21 : memref<1x128xi32, #tpu.memory_space<vmem>> -> memref<128xi32, #tpu.memory_space<vmem>>
    %dma_start3A_23 = arith.constant 0 : i32
    %dma_start3A_24 = arith.constant 0 : i32
    %dma_start3A_25 = tpu.memref_slice %arg3[%dma_start3A_23, %dma_start3A_24] : memref<1000000x128xf32, #tpu.memory_space<hbm>> -> memref<1000000x128xf32, #tpu.memory_space<hbm>>
    tpu.enqueue_indirect_dma source(%dma_start3A_25 : memref<1000000x128xf32, #tpu.memory_space<hbm>>) target(%dma_start3A_19 : memref<128x128xf32, #tpu.memory_space<vmem>>) offsets(%dma_start3A_22 : memref<128xi32, #tpu.memory_space<vmem>>) semaphore(%arg9 : memref<!tpu.dma_semaphore, #tpu.memory_space<semaphore_mem>>)
    %dma_start3A_26 = arith.constant 2 : i32
    %dma_start3A_27 = arith.constant 2 : i32
    %dma_start3A_28 = arith.constant 0 : i32
    %dma_start3A_29 = arith.constant 0 : i32
    %dma_start3A_30 = tpu.memref_slice %arg6[%dma_start3A_27, %dma_start3A_28, %dma_start3A_29] : memref<4x128x128xf32, #tpu.memory_space<vmem>> -> memref<1x128x128xf32, #tpu.memory_space<vmem>>
    %dma_start3A_31 = tpu.memref_squeeze %dma_start3A_30 : memref<1x128x128xf32, #tpu.memory_space<vmem>> -> memref<128x128xf32, #tpu.memory_space<vmem>>
    %dma_start3A_32 = arith.constant 0 : i32
    %dma_start3A_33 = tpu.memref_slice %arg5[%dma_start3A_26, %dma_start3A_32] : memref<50x128xi32, #tpu.memory_space<vmem>> -> memref<1x128xi32, #tpu.memory_space<vmem>>
    %dma_start3A_34 = tpu.memref_squeeze %dma_start3A_33 : memref<1x128xi32, #tpu.memory_space<vmem>> -> memref<128xi32, #tpu.memory_space<vmem>>
    %dma_start3A_35 = arith.constant 0 : i32
    %dma_start3A_36 = arith.constant 0 : i32
    %dma_start3A_37 = tpu.memref_slice %arg3[%dma_start3A_35, %dma_start3A_36] : memref<1000000x128xf32, #tpu.memory_space<hbm>> -> memref<1000000x128xf32, #tpu.memory_space<hbm>>
    tpu.enqueue_indirect_dma source(%dma_start3A_37 : memref<1000000x128xf32, #tpu.memory_space<hbm>>) target(%dma_start3A_31 : memref<128x128xf32, #tpu.memory_space<vmem>>) offsets(%dma_start3A_34 : memref<128xi32, #tpu.memory_space<vmem>>) semaphore(%arg10 : memref<!tpu.dma_semaphore, #tpu.memory_space<semaphore_mem>>)
    %dma_start3A_38 = arith.constant 3 : i32
    %dma_start3A_39 = arith.constant 3 : i32
    %dma_start3A_40 = arith.constant 0 : i32
    %dma_start3A_41 = arith.constant 0 : i32
    %dma_start3A_42 = tpu.memref_slice %arg6[%dma_start3A_39, %dma_start3A_40, %dma_start3A_41] : memref<4x128x128xf32, #tpu.memory_space<vmem>> -> memref<1x128x128xf32, #tpu.memory_space<vmem>>
    %dma_start3A_43 = tpu.memref_squeeze %dma_start3A_42 : memref<1x128x128xf32, #tpu.memory_space<vmem>> -> memref<128x128xf32, #tpu.memory_space<vmem>>
    %dma_start3A_44 = arith.constant 0 : i32
    %dma_start3A_45 = tpu.memref_slice %arg5[%dma_start3A_38, %dma_start3A_44] : memref<50x128xi32, #tpu.memory_space<vmem>> -> memref<1x128xi32, #tpu.memory_space<vmem>>
    %dma_start3A_46 = tpu.memref_squeeze %dma_start3A_45 : memref<1x128xi32, #tpu.memory_space<vmem>> -> memref<128xi32, #tpu.memory_space<vmem>>
    %dma_start3A_47 = arith.constant 0 : i32
    %dma_start3A_48 = arith.constant 0 : i32
    %dma_start3A_49 = tpu.memref_slice %arg3[%dma_start3A_47, %dma_start3A_48] : memref<1000000x128xf32, #tpu.memory_space<hbm>> -> memref<1000000x128xf32, #tpu.memory_space<hbm>>
    tpu.enqueue_indirect_dma source(%dma_start3A_49 : memref<1000000x128xf32, #tpu.memory_space<hbm>>) target(%dma_start3A_43 : memref<128x128xf32, #tpu.memory_space<vmem>>) offsets(%dma_start3A_46 : memref<128xi32, #tpu.memory_space<vmem>>) semaphore(%arg11 : memref<!tpu.dma_semaphore, #tpu.memory_space<semaphore_mem>>)
    %scan3A = arith.constant 0 : i32
    %scan3A_50 = arith.constant 13 : i32
    %scan3A_51 = arith.addi %scan3A, %scan3A_50 : i32
    %scan3A_52 = arith.constant 1 : i32
    scf.for %scan3A_117 = %scan3A to %scan3A_51 step %scan3A_52  : i32 {
      %mul3A_118 = arith.constant 4 : i32
      %mul3A_119 = arith.muli %scan3A_117, %mul3A_118 : i32
      %add3A_120 = arith.constant 0 : i32
      %add3A_121 = arith.addi %mul3A_119, %add3A_120 : i32
      %lt3A = arith.constant 50 : i32
      %lt3A_122 = arith.cmpi slt, %add3A_121, %lt3A : i32
      %convert_element_type3A = arith.extui %lt3A_122 : i1 to i32
      %cond3A = arith.constant 0 : i32
      %cond3A_123 = arith.cmpi ne, %convert_element_type3A, %cond3A : i32
      scf.if %cond3A_123 {
        %dma_wait3A_145 = arith.constant 0 : i32
        %dma_wait3A_146 = arith.constant 0 : i32
        %dma_wait3A_147 = arith.constant 0 : i32
        %dma_wait3A_148 = tpu.memref_slice %arg6[%dma_wait3A_145, %dma_wait3A_146, %dma_wait3A_147] : memref<4x128x128xf32, #tpu.memory_space<vmem>> -> memref<1x128x128xf32, #tpu.memory_space<vmem>>
        %dma_wait3A_149 = tpu.memref_squeeze %dma_wait3A_148 : memref<1x128x128xf32, #tpu.memory_space<vmem>> -> memref<128x128xf32, #tpu.memory_space<vmem>>
        %dma_wait3A_150 = arith.constant 0 : i32
        %dma_wait3A_151 = tpu.memref_slice %arg5[%add3A_121, %dma_wait3A_150] : memref<50x128xi32, #tpu.memory_space<vmem>> -> memref<1x128xi32, #tpu.memory_space<vmem>>
        %dma_wait3A_152 = tpu.memref_squeeze %dma_wait3A_151 : memref<1x128xi32, #tpu.memory_space<vmem>> -> memref<128xi32, #tpu.memory_space<vmem>>
        %dma_wait3A_153 = arith.constant 0 : i32
        %dma_wait3A_154 = arith.constant 0 : i32
        %dma_wait3A_155 = tpu.memref_slice %arg3[%dma_wait3A_153, %dma_wait3A_154] : memref<1000000x128xf32, #tpu.memory_space<hbm>> -> memref<1000000x128xf32, #tpu.memory_space<hbm>>
        tpu.wait_indirect_dma semaphore(%arg8 : memref<!tpu.dma_semaphore, #tpu.memory_space<semaphore_mem>>) src(%dma_wait3A_155 : memref<1000000x128xf32, #tpu.memory_space<hbm>>) dst(%dma_wait3A_149 : memref<128x128xf32, #tpu.memory_space<vmem>>)
        %ge3A = arith.constant 4 : i32
        %ge3A_156 = arith.cmpi sge, %add3A_121, %ge3A : i32
        %convert_element_type3A_157 = arith.extui %ge3A_156 : i1 to i32
        %cond3A_158 = arith.constant 0 : i32
        %cond3A_159 = arith.cmpi ne, %convert_element_type3A_157, %cond3A_158 : i32
        scf.if %cond3A_159 {
          %sub3A = arith.constant 4 : i32
          %sub3A_189 = arith.subi %add3A_121, %sub3A : i32
          %dma_wait3A_190 = arith.constant 0 : i32
          %dma_wait3A_191 = arith.constant 0 : i32
          %dma_wait3A_192 = arith.constant 0 : i32
          %dma_wait3A_193 = tpu.memref_slice %arg7[%dma_wait3A_190, %dma_wait3A_191, %dma_wait3A_192] : memref<4x64x128xf32, #tpu.memory_space<vmem>> -> memref<1x64x128xf32, #tpu.memory_space<vmem>>
          %dma_wait3A_194 = tpu.memref_squeeze %dma_wait3A_193 : memref<1x64x128xf32, #tpu.memory_space<vmem>> -> memref<64x128xf32, #tpu.memory_space<vmem>>
          %dma_wait3A_195 = arith.constant 0 : i32
          %dma_wait3A_196 = tpu.memref_slice %arg4[%sub3A_189, %dma_wait3A_195, %mul3A_2] : memref<50x64x4096xf32, #tpu.memory_space<hbm>> -> memref<1x64x128xf32, #tpu.memory_space<hbm>>
          %dma_wait3A_197 = tpu.memref_squeeze %dma_wait3A_196 : memref<1x64x128xf32, #tpu.memory_space<hbm>> -> memref<64x128xf32, #tpu.memory_space<hbm>>
          %dma_wait3A_198 = arith.constant 0 : i32
          %dma_wait3A_199 = tpu.memref_slice %arg4[%sub3A_189, %dma_wait3A_198, %mul3A_2] : memref<50x64x4096xf32, #tpu.memory_space<hbm>> -> memref<1x64x128xf32, #tpu.memory_space<hbm>>
          %dma_wait3A_200 = tpu.memref_squeeze %dma_wait3A_199 : memref<1x64x128xf32, #tpu.memory_space<hbm>> -> memref<64x128xf32, #tpu.memory_space<hbm>>
          %dma_wait3A_201 = arith.constant 0 : i32
          %dma_wait3A_202 = arith.constant 0 : i32
          %dma_wait3A_203 = tpu.memref_slice %arg7[%dma_wait3A_190, %dma_wait3A_201, %dma_wait3A_202] : memref<4x64x128xf32, #tpu.memory_space<vmem>> -> memref<1x64x128xf32, #tpu.memory_space<vmem>>
          %dma_wait3A_204 = tpu.memref_squeeze %dma_wait3A_203 : memref<1x64x128xf32, #tpu.memory_space<vmem>> -> memref<64x128xf32, #tpu.memory_space<vmem>>
          tpu.wait_dma2 semaphore(%arg12 : memref<!tpu.dma_semaphore, #tpu.memory_space<semaphore_mem>>) src(%dma_wait3A_204 : memref<64x128xf32, #tpu.memory_space<vmem>>) dst(%dma_wait3A_200 : memref<64x128xf32, #tpu.memory_space<hbm>>)
        } else {
        }
        %scan3A_160 = arith.constant 0 : i32
        %scan3A_161 = arith.constant 0 : i32
        %scan3A_162 = arith.constant 0 : i32
        %scan3A_163 = arith.constant 64 : i32
        %scan3A_164 = arith.addi %scan3A_162, %scan3A_163 : i32
        %scan3A_165 = arith.constant 1 : i32
        scf.for %scan3A_189 = %scan3A_162 to %scan3A_164 step %scan3A_165  : i32 {
          %add3A_190 = arith.constant 0 : i32
          %add3A_191 = vector.broadcast %add3A_190 : i32 to vector<16xi32>
          %add3A_192 = arith.addi %iota3A, %add3A_191 : vector<16xi32>
          %broadcast_in_dim3A = vector.broadcast %scan3A_189 : i32 to vector<16xi32>
          %gather3A = arith.constant 0 : i32
          %gather3A_193 = arith.constant 0 : i32
          %gather3A_194 = tpu.memref_slice %arg6[%scan3A_160, %gather3A, %gather3A_193] : memref<4x128x128xf32, #tpu.memory_space<vmem>> -> memref<1x128x128xf32, #tpu.memory_space<vmem>>
          %gather3A_195 = tpu.memref_squeeze %gather3A_194 : memref<1x128x128xf32, #tpu.memory_space<vmem>> -> memref<128x128xf32, #tpu.memory_space<vmem>>
          %gather3A_196 = tpu.vector_load_idx %gather3A_195[%add3A_192, %broadcast_in_dim3A] : memref<128x128xf32, #tpu.memory_space<vmem>>[vector<16xi32>, vector<16xi32>], vector<16xf32>,
          %add3A_197 = arith.constant 16 : i32
          %add3A_198 = vector.broadcast %add3A_197 : i32 to vector<16xi32>
          %add3A_199 = arith.addi %iota3A, %add3A_198 : vector<16xi32>
          %broadcast_in_dim3A_200 = vector.broadcast %scan3A_189 : i32 to vector<16xi32>
          %gather3A_201 = arith.constant 0 : i32
          %gather3A_202 = arith.constant 0 : i32
          %gather3A_203 = tpu.memref_slice %arg6[%scan3A_160, %gather3A_201, %gather3A_202] : memref<4x128x128xf32, #tpu.memory_space<vmem>> -> memref<1x128x128xf32, #tpu.memory_space<vmem>>
          %gather3A_204 = tpu.memref_squeeze %gather3A_203 : memref<1x128x128xf32, #tpu.memory_space<vmem>> -> memref<128x128xf32, #tpu.memory_space<vmem>>
          %gather3A_205 = tpu.vector_load_idx %gather3A_204[%add3A_199, %broadcast_in_dim3A_200] : memref<128x128xf32, #tpu.memory_space<vmem>>[vector<16xi32>, vector<16xi32>], vector<16xf32>,
          %add3A_206 = arith.constant 32 : i32
          %add3A_207 = vector.broadcast %add3A_206 : i32 to vector<16xi32>
          %add3A_208 = arith.addi %iota3A, %add3A_207 : vector<16xi32>
          %broadcast_in_dim3A_209 = vector.broadcast %scan3A_189 : i32 to vector<16xi32>
          %gather3A_210 = arith.constant 0 : i32
          %gather3A_211 = arith.constant 0 : i32
          %gather3A_212 = tpu.memref_slice %arg6[%scan3A_160, %gather3A_210, %gather3A_211] : memref<4x128x128xf32, #tpu.memory_space<vmem>> -> memref<1x128x128xf32, #tpu.memory_space<vmem>>
          %gather3A_213 = tpu.memref_squeeze %gather3A_212 : memref<1x128x128xf32, #tpu.memory_space<vmem>> -> memref<128x128xf32, #tpu.memory_space<vmem>>
          %gather3A_214 = tpu.vector_load_idx %gather3A_213[%add3A_208, %broadcast_in_dim3A_209] : memref<128x128xf32, #tpu.memory_space<vmem>>[vector<16xi32>, vector<16xi32>], vector<16xf32>,
          %add3A_215 = arith.constant 48 : i32
          %add3A_216 = vector.broadcast %add3A_215 : i32 to vector<16xi32>
          %add3A_217 = arith.addi %iota3A, %add3A_216 : vector<16xi32>
          %broadcast_in_dim3A_218 = vector.broadcast %scan3A_189 : i32 to vector<16xi32>
          %gather3A_219 = arith.constant 0 : i32
          %gather3A_220 = arith.constant 0 : i32
          %gather3A_221 = tpu.memref_slice %arg6[%scan3A_160, %gather3A_219, %gather3A_220] : memref<4x128x128xf32, #tpu.memory_space<vmem>> -> memref<1x128x128xf32, #tpu.memory_space<vmem>>
          %gather3A_222 = tpu.memref_squeeze %gather3A_221 : memref<1x128x128xf32, #tpu.memory_space<vmem>> -> memref<128x128xf32, #tpu.memory_space<vmem>>
          %gather3A_223 = tpu.vector_load_idx %gather3A_222[%add3A_217, %broadcast_in_dim3A_218] : memref<128x128xf32, #tpu.memory_space<vmem>>[vector<16xi32>, vector<16xi32>], vector<16xf32>,
          %swap3A = arith.constant 0 : i32
          %swap3A_224 = arith.constant 0 : i32
          %swap3A_225 = tpu.memref_slice %arg7[%scan3A_161, %swap3A, %swap3A_224] : memref<4x64x128xf32, #tpu.memory_space<vmem>> -> memref<1x64x128xf32, #tpu.memory_space<vmem>>
          %swap3A_226 = tpu.memref_squeeze %swap3A_225 : memref<1x64x128xf32, #tpu.memory_space<vmem>> -> memref<64x128xf32, #tpu.memory_space<vmem>>
          %swap3A_227 = arith.index_cast %scan3A_189 : i32 to index
          %swap3A_228 = arith.constant 0 : index
          %swap3A_229 = tpu.vector_load %swap3A_226[%swap3A_227, %swap3A_228] {strides = array<i32>} : memref<64x128xf32, #tpu.memory_space<vmem>>, vector<16xf32>,
          tpu.vector_store %swap3A_226[%swap3A_227, %swap3A_228], %gather3A_196 {strides = array<i32>} : memref<64x128xf32, #tpu.memory_space<vmem>>, vector<16xf32>,
          %swap3A_230 = arith.constant 0 : i32
          %swap3A_231 = arith.constant 0 : i32
          %swap3A_232 = tpu.memref_slice %arg7[%scan3A_161, %swap3A_230, %swap3A_231] : memref<4x64x128xf32, #tpu.memory_space<vmem>> -> memref<1x64x128xf32, #tpu.memory_space<vmem>>
          %swap3A_233 = tpu.memref_squeeze %swap3A_232 : memref<1x64x128xf32, #tpu.memory_space<vmem>> -> memref<64x128xf32, #tpu.memory_space<vmem>>
          %swap3A_234 = arith.index_cast %scan3A_189 : i32 to index
          %swap3A_235 = arith.constant 16 : index
          %swap3A_236 = tpu.vector_load %swap3A_233[%swap3A_234, %swap3A_235] {strides = array<i32>} : memref<64x128xf32, #tpu.memory_space<vmem>>, vector<16xf32>,
          tpu.vector_store %swap3A_233[%swap3A_234, %swap3A_235], %gather3A_205 {strides = array<i32>} : memref<64x128xf32, #tpu.memory_space<vmem>>, vector<16xf32>,
          %swap3A_237 = arith.constant 0 : i32
          %swap3A_238 = arith.constant 0 : i32
          %swap3A_239 = tpu.memref_slice %arg7[%scan3A_161, %swap3A_237, %swap3A_238] : memref<4x64x128xf32, #tpu.memory_space<vmem>> -> memref<1x64x128xf32, #tpu.memory_space<vmem>>
          %swap3A_240 = tpu.memref_squeeze %swap3A_239 : memref<1x64x128xf32, #tpu.memory_space<vmem>> -> memref<64x128xf32, #tpu.memory_space<vmem>>
          %swap3A_241 = arith.index_cast %scan3A_189 : i32 to index
          %swap3A_242 = arith.constant 32 : index
          %swap3A_243 = tpu.vector_load %swap3A_240[%swap3A_241, %swap3A_242] {strides = array<i32>} : memref<64x128xf32, #tpu.memory_space<vmem>>, vector<16xf32>,
          tpu.vector_store %swap3A_240[%swap3A_241, %swap3A_242], %gather3A_214 {strides = array<i32>} : memref<64x128xf32, #tpu.memory_space<vmem>>, vector<16xf32>,
          %swap3A_244 = arith.constant 0 : i32
          %swap3A_245 = arith.constant 0 : i32
          %swap3A_246 = tpu.memref_slice %arg7[%scan3A_161, %swap3A_244, %swap3A_245] : memref<4x64x128xf32, #tpu.memory_space<vmem>> -> memref<1x64x128xf32, #tpu.memory_space<vmem>>
          %swap3A_247 = tpu.memref_squeeze %swap3A_246 : memref<1x64x128xf32, #tpu.memory_space<vmem>> -> memref<64x128xf32, #tpu.memory_space<vmem>>
          %swap3A_248 = arith.index_cast %scan3A_189 : i32 to index
          %swap3A_249 = arith.constant 48 : index
          %swap3A_250 = tpu.vector_load %swap3A_247[%swap3A_248, %swap3A_249] {strides = array<i32>} : memref<64x128xf32, #tpu.memory_space<vmem>>, vector<16xf32>,
          tpu.vector_store %swap3A_247[%swap3A_248, %swap3A_249], %gather3A_223 {strides = array<i32>} : memref<64x128xf32, #tpu.memory_space<vmem>>, vector<16xf32>,
          %add3A_251 = arith.constant 64 : i32
          %add3A_252 = vector.broadcast %add3A_251 : i32 to vector<16xi32>
          %add3A_253 = arith.addi %iota3A, %add3A_252 : vector<16xi32>
          %broadcast_in_dim3A_254 = vector.broadcast %scan3A_189 : i32 to vector<16xi32>
          %gather3A_255 = arith.constant 0 : i32
          %gather3A_256 = arith.constant 0 : i32
          %gather3A_257 = tpu.memref_slice %arg6[%scan3A_160, %gather3A_255, %gather3A_256] : memref<4x128x128xf32, #tpu.memory_space<vmem>> -> memref<1x128x128xf32, #tpu.memory_space<vmem>>
          %gather3A_258 = tpu.memref_squeeze %gather3A_257 : memref<1x128x128xf32, #tpu.memory_space<vmem>> -> memref<128x128xf32, #tpu.memory_space<vmem>>
          %gather3A_259 = tpu.vector_load_idx %gather3A_258[%add3A_253, %broadcast_in_dim3A_254] : memref<128x128xf32, #tpu.memory_space<vmem>>[vector<16xi32>, vector<16xi32>], vector<16xf32>,
          %add3A_260 = arith.constant 80 : i32
          %add3A_261 = vector.broadcast %add3A_260 : i32 to vector<16xi32>
          %add3A_262 = arith.addi %iota3A, %add3A_261 : vector<16xi32>
          %broadcast_in_dim3A_263 = vector.broadcast %scan3A_189 : i32 to vector<16xi32>
          %gather3A_264 = arith.constant 0 : i32
          %gather3A_265 = arith.constant 0 : i32
          %gather3A_266 = tpu.memref_slice %arg6[%scan3A_160, %gather3A_264, %gather3A_265] : memref<4x128x128xf32, #tpu.memory_space<vmem>> -> memref<1x128x128xf32, #tpu.memory_space<vmem>>
          %gather3A_267 = tpu.memref_squeeze %gather3A_266 : memref<1x128x128xf32, #tpu.memory_space<vmem>> -> memref<128x128xf32, #tpu.memory_space<vmem>>
          %gather3A_268 = tpu.vector_load_idx %gather3A_267[%add3A_262, %broadcast_in_dim3A_263] : memref<128x128xf32, #tpu.memory_space<vmem>>[vector<16xi32>, vector<16xi32>], vector<16xf32>,
          %add3A_269 = arith.constant 96 : i32
          %add3A_270 = vector.broadcast %add3A_269 : i32 to vector<16xi32>
          %add3A_271 = arith.addi %iota3A, %add3A_270 : vector<16xi32>
          %broadcast_in_dim3A_272 = vector.broadcast %scan3A_189 : i32 to vector<16xi32>
          %gather3A_273 = arith.constant 0 : i32
          %gather3A_274 = arith.constant 0 : i32
          %gather3A_275 = tpu.memref_slice %arg6[%scan3A_160, %gather3A_273, %gather3A_274] : memref<4x128x128xf32, #tpu.memory_space<vmem>> -> memref<1x128x128xf32, #tpu.memory_space<vmem>>
          %gather3A_276 = tpu.memref_squeeze %gather3A_275 : memref<1x128x128xf32, #tpu.memory_space<vmem>> -> memref<128x128xf32, #tpu.memory_space<vmem>>
          %gather3A_277 = tpu.vector_load_idx %gather3A_276[%add3A_271, %broadcast_in_dim3A_272] : memref<128x128xf32, #tpu.memory_space<vmem>>[vector<16xi32>, vector<16xi32>], vector<16xf32>,
          %add3A_278 = arith.constant 112 : i32
          %add3A_279 = vector.broadcast %add3A_278 : i32 to vector<16xi32>
          %add3A_280 = arith.addi %iota3A, %add3A_279 : vector<16xi32>
          %broadcast_in_dim3A_281 = vector.broadcast %scan3A_189 : i32 to vector<16xi32>
          %gather3A_282 = arith.constant 0 : i32
          %gather3A_283 = arith.constant 0 : i32
          %gather3A_284 = tpu.memref_slice %arg6[%scan3A_160, %gather3A_282, %gather3A_283] : memref<4x128x128xf32, #tpu.memory_space<vmem>> -> memref<1x128x128xf32, #tpu.memory_space<vmem>>
          %gather3A_285 = tpu.memref_squeeze %gather3A_284 : memref<1x128x128xf32, #tpu.memory_space<vmem>> -> memref<128x128xf32, #tpu.memory_space<vmem>>
          %gather3A_286 = tpu.vector_load_idx %gather3A_285[%add3A_280, %broadcast_in_dim3A_281] : memref<128x128xf32, #tpu.memory_space<vmem>>[vector<16xi32>, vector<16xi32>], vector<16xf32>,
          %swap3A_287 = arith.constant 0 : i32
          %swap3A_288 = arith.constant 0 : i32
          %swap3A_289 = tpu.memref_slice %arg7[%scan3A_161, %swap3A_287, %swap3A_288] : memref<4x64x128xf32, #tpu.memory_space<vmem>> -> memref<1x64x128xf32, #tpu.memory_space<vmem>>
          %swap3A_290 = tpu.memref_squeeze %swap3A_289 : memref<1x64x128xf32, #tpu.memory_space<vmem>> -> memref<64x128xf32, #tpu.memory_space<vmem>>
          %swap3A_291 = arith.index_cast %scan3A_189 : i32 to index
          %swap3A_292 = arith.constant 64 : index
          %swap3A_293 = tpu.vector_load %swap3A_290[%swap3A_291, %swap3A_292] {strides = array<i32>} : memref<64x128xf32, #tpu.memory_space<vmem>>, vector<16xf32>,
          tpu.vector_store %swap3A_290[%swap3A_291, %swap3A_292], %gather3A_259 {strides = array<i32>} : memref<64x128xf32, #tpu.memory_space<vmem>>, vector<16xf32>,
          %swap3A_294 = arith.constant 0 : i32
          %swap3A_295 = arith.constant 0 : i32
          %swap3A_296 = tpu.memref_slice %arg7[%scan3A_161, %swap3A_294, %swap3A_295] : memref<4x64x128xf32, #tpu.memory_space<vmem>> -> memref<1x64x128xf32, #tpu.memory_space<vmem>>
          %swap3A_297 = tpu.memref_squeeze %swap3A_296 : memref<1x64x128xf32, #tpu.memory_space<vmem>> -> memref<64x128xf32, #tpu.memory_space<vmem>>
          %swap3A_298 = arith.index_cast %scan3A_189 : i32 to index
          %swap3A_299 = arith.constant 80 : index
          %swap3A_300 = tpu.vector_load %swap3A_297[%swap3A_298, %swap3A_299] {strides = array<i32>} : memref<64x128xf32, #tpu.memory_space<vmem>>, vector<16xf32>,
          tpu.vector_store %swap3A_297[%swap3A_298, %swap3A_299], %gather3A_268 {strides = array<i32>} : memref<64x128xf32, #tpu.memory_space<vmem>>, vector<16xf32>,
          %swap3A_301 = arith.constant 0 : i32
          %swap3A_302 = arith.constant 0 : i32
          %swap3A_303 = tpu.memref_slice %arg7[%scan3A_161, %swap3A_301, %swap3A_302] : memref<4x64x128xf32, #tpu.memory_space<vmem>> -> memref<1x64x128xf32, #tpu.memory_space<vmem>>
          %swap3A_304 = tpu.memref_squeeze %swap3A_303 : memref<1x64x128xf32, #tpu.memory_space<vmem>> -> memref<64x128xf32, #tpu.memory_space<vmem>>
          %swap3A_305 = arith.index_cast %scan3A_189 : i32 to index
          %swap3A_306 = arith.constant 96 : index
          %swap3A_307 = tpu.vector_load %swap3A_304[%swap3A_305, %swap3A_306] {strides = array<i32>} : memref<64x128xf32, #tpu.memory_space<vmem>>, vector<16xf32>,
          tpu.vector_store %swap3A_304[%swap3A_305, %swap3A_306], %gather3A_277 {strides = array<i32>} : memref<64x128xf32, #tpu.memory_space<vmem>>, vector<16xf32>,
          %swap3A_308 = arith.constant 0 : i32
          %swap3A_309 = arith.constant 0 : i32
          %swap3A_310 = tpu.memref_slice %arg7[%scan3A_161, %swap3A_308, %swap3A_309] : memref<4x64x128xf32, #tpu.memory_space<vmem>> -> memref<1x64x128xf32, #tpu.memory_space<vmem>>
          %swap3A_311 = tpu.memref_squeeze %swap3A_310 : memref<1x64x128xf32, #tpu.memory_space<vmem>> -> memref<64x128xf32, #tpu.memory_space<vmem>>
          %swap3A_312 = arith.index_cast %scan3A_189 : i32 to index
          %swap3A_313 = arith.constant 112 : index
          %swap3A_314 = tpu.vector_load %swap3A_311[%swap3A_312, %swap3A_313] {strides = array<i32>} : memref<64x128xf32, #tpu.memory_space<vmem>>, vector<16xf32>,
          tpu.vector_store %swap3A_311[%swap3A_312, %swap3A_313], %gather3A_286 {strides = array<i32>} : memref<64x128xf32, #tpu.memory_space<vmem>>, vector<16xf32>,
        }
        %scan3A_166 = arith.constant 64 : i32
        %dma_start3A_167 = arith.constant 0 : i32
        %dma_start3A_168 = arith.constant 0 : i32
        %dma_start3A_169 = arith.constant 0 : i32
        %dma_start3A_170 = tpu.memref_slice %arg7[%dma_start3A_167, %dma_start3A_168, %dma_start3A_169] : memref<4x64x128xf32, #tpu.memory_space<vmem>> -> memref<1x64x128xf32, #tpu.memory_space<vmem>>
        %dma_start3A_171 = tpu.memref_squeeze %dma_start3A_170 : memref<1x64x128xf32, #tpu.memory_space<vmem>> -> memref<64x128xf32, #tpu.memory_space<vmem>>
        %dma_start3A_172 = arith.constant 0 : i32
        %dma_start3A_173 = tpu.memref_slice %arg4[%add3A_121, %dma_start3A_172, %mul3A_2] : memref<50x64x4096xf32, #tpu.memory_space<hbm>> -> memref<1x64x128xf32, #tpu.memory_space<hbm>>
        %dma_start3A_174 = tpu.memref_squeeze %dma_start3A_173 : memref<1x64x128xf32, #tpu.memory_space<hbm>> -> memref<64x128xf32, #tpu.memory_space<hbm>>
        %dma_start3A_175 = arith.constant 0 : i32
        %dma_start3A_176 = tpu.memref_slice %arg4[%add3A_121, %dma_start3A_175, %mul3A_2] : memref<50x64x4096xf32, #tpu.memory_space<hbm>> -> memref<1x64x128xf32, #tpu.memory_space<hbm>>
        %dma_start3A_177 = tpu.memref_squeeze %dma_start3A_176 : memref<1x64x128xf32, #tpu.memory_space<hbm>> -> memref<64x128xf32, #tpu.memory_space<hbm>>
        %dma_start3A_178 = arith.constant 0 : i32
        %dma_start3A_179 = arith.constant 0 : i32
        %dma_start3A_180 = tpu.memref_slice %arg7[%dma_start3A_167, %dma_start3A_178, %dma_start3A_179] : memref<4x64x128xf32, #tpu.memory_space<vmem>> -> memref<1x64x128xf32, #tpu.memory_space<vmem>>
        %dma_start3A_181 = tpu.memref_squeeze %dma_start3A_180 : memref<1x64x128xf32, #tpu.memory_space<vmem>> -> memref<64x128xf32, #tpu.memory_space<vmem>>
        tpu.enqueue_dma source(%dma_start3A_181 : memref<64x128xf32, #tpu.memory_space<vmem>>) target(%dma_start3A_177 : memref<64x128xf32, #tpu.memory_space<hbm>>) target_semaphore(%arg12 : memref<!tpu.dma_semaphore, #tpu.memory_space<semaphore_mem>>)
        %add3A_182 = arith.constant 4 : i32
        %add3A_183 = arith.addi %add3A_121, %add3A_182 : i32
        %lt3A_184 = arith.constant 50 : i32
        %lt3A_185 = arith.cmpi slt, %add3A_183, %lt3A_184 : i32
        %convert_element_type3A_186 = arith.extui %lt3A_185 : i1 to i32
        %cond3A_187 = arith.constant 0 : i32
        %cond3A_188 = arith.cmpi ne, %convert_element_type3A_186, %cond3A_187 : i32
        scf.if %cond3A_188 {
          %add3A_189 = arith.constant 4 : i32
          %add3A_190 = arith.addi %add3A_121, %add3A_189 : i32
          %dma_start3A_191 = arith.constant 0 : i32
          %dma_start3A_192 = arith.constant 0 : i32
          %dma_start3A_193 = arith.constant 0 : i32
          %dma_start3A_194 = tpu.memref_slice %arg6[%dma_start3A_191, %dma_start3A_192, %dma_start3A_193] : memref<4x128x128xf32, #tpu.memory_space<vmem>> -> memref<1x128x128xf32, #tpu.memory_space<vmem>>
          %dma_start3A_195 = tpu.memref_squeeze %dma_start3A_194 : memref<1x128x128xf32, #tpu.memory_space<vmem>> -> memref<128x128xf32, #tpu.memory_space<vmem>>
          %dma_start3A_196 = arith.constant 0 : i32
          %dma_start3A_197 = tpu.memref_slice %arg5[%add3A_190, %dma_start3A_196] : memref<50x128xi32, #tpu.memory_space<vmem>> -> memref<1x128xi32, #tpu.memory_space<vmem>>
          %dma_start3A_198 = tpu.memref_squeeze %dma_start3A_197 : memref<1x128xi32, #tpu.memory_space<vmem>> -> memref<128xi32, #tpu.memory_space<vmem>>
          %dma_start3A_199 = arith.constant 0 : i32
          %dma_start3A_200 = arith.constant 0 : i32
          %dma_start3A_201 = tpu.memref_slice %arg3[%dma_start3A_199, %dma_start3A_200] : memref<1000000x128xf32, #tpu.memory_space<hbm>> -> memref<1000000x128xf32, #tpu.memory_space<hbm>>
          tpu.enqueue_indirect_dma source(%dma_start3A_201 : memref<1000000x128xf32, #tpu.memory_space<hbm>>) target(%dma_start3A_195 : memref<128x128xf32, #tpu.memory_space<vmem>>) offsets(%dma_start3A_198 : memref<128xi32, #tpu.memory_space<vmem>>) semaphore(%arg8 : memref<!tpu.dma_semaphore, #tpu.memory_space<semaphore_mem>>)
        } else {
        }
      } else {
      }
      %add3A_124 = arith.constant 1 : i32
      %add3A_125 = arith.addi %mul3A_119, %add3A_124 : i32
      %lt3A_126 = arith.constant 50 : i32
      %lt3A_127 = arith.cmpi slt, %add3A_125, %lt3A_126 : i32
      %convert_element_type3A_128 = arith.extui %lt3A_127 : i1 to i32
      %cond3A_129 = arith.constant 0 : i32
      %cond3A_130 = arith.cmpi ne, %convert_element_type3A_128, %cond3A_129 : i32
      scf.if %cond3A_130 {
        %dma_wait3A_145 = arith.constant 1 : i32
        %dma_wait3A_146 = arith.constant 0 : i32
        %dma_wait3A_147 = arith.constant 0 : i32
        %dma_wait3A_148 = tpu.memref_slice %arg6[%dma_wait3A_145, %dma_wait3A_146, %dma_wait3A_147] : memref<4x128x128xf32, #tpu.memory_space<vmem>> -> memref<1x128x128xf32, #tpu.memory_space<vmem>>
        %dma_wait3A_149 = tpu.memref_squeeze %dma_wait3A_148 : memref<1x128x128xf32, #tpu.memory_space<vmem>> -> memref<128x128xf32, #tpu.memory_space<vmem>>
        %dma_wait3A_150 = arith.constant 0 : i32
        %dma_wait3A_151 = tpu.memref_slice %arg5[%add3A_125, %dma_wait3A_150] : memref<50x128xi32, #tpu.memory_space<vmem>> -> memref<1x128xi32, #tpu.memory_space<vmem>>
        %dma_wait3A_152 = tpu.memref_squeeze %dma_wait3A_151 : memref<1x128xi32, #tpu.memory_space<vmem>> -> memref<128xi32, #tpu.memory_space<vmem>>
        %dma_wait3A_153 = arith.constant 0 : i32
        %dma_wait3A_154 = arith.constant 0 : i32
        %dma_wait3A_155 = tpu.memref_slice %arg3[%dma_wait3A_153, %dma_wait3A_154] : memref<1000000x128xf32, #tpu.memory_space<hbm>> -> memref<1000000x128xf32, #tpu.memory_space<hbm>>
        tpu.wait_indirect_dma semaphore(%arg9 : memref<!tpu.dma_semaphore, #tpu.memory_space<semaphore_mem>>) src(%dma_wait3A_155 : memref<1000000x128xf32, #tpu.memory_space<hbm>>) dst(%dma_wait3A_149 : memref<128x128xf32, #tpu.memory_space<vmem>>)
        %ge3A = arith.constant 4 : i32
        %ge3A_156 = arith.cmpi sge, %add3A_125, %ge3A : i32
        %convert_element_type3A_157 = arith.extui %ge3A_156 : i1 to i32
        %cond3A_158 = arith.constant 0 : i32
        %cond3A_159 = arith.cmpi ne, %convert_element_type3A_157, %cond3A_158 : i32
        scf.if %cond3A_159 {
          %sub3A = arith.constant 4 : i32
          %sub3A_189 = arith.subi %add3A_125, %sub3A : i32
          %dma_wait3A_190 = arith.constant 1 : i32
          %dma_wait3A_191 = arith.constant 0 : i32
          %dma_wait3A_192 = arith.constant 0 : i32
          %dma_wait3A_193 = tpu.memref_slice %arg7[%dma_wait3A_190, %dma_wait3A_191, %dma_wait3A_192] : memref<4x64x128xf32, #tpu.memory_space<vmem>> -> memref<1x64x128xf32, #tpu.memory_space<vmem>>
          %dma_wait3A_194 = tpu.memref_squeeze %dma_wait3A_193 : memref<1x64x128xf32, #tpu.memory_space<vmem>> -> memref<64x128xf32, #tpu.memory_space<vmem>>
          %dma_wait3A_195 = arith.constant 0 : i32
          %dma_wait3A_196 = tpu.memref_slice %arg4[%sub3A_189, %dma_wait3A_195, %mul3A_2] : memref<50x64x4096xf32, #tpu.memory_space<hbm>> -> memref<1x64x128xf32, #tpu.memory_space<hbm>>
          %dma_wait3A_197 = tpu.memref_squeeze %dma_wait3A_196 : memref<1x64x128xf32, #tpu.memory_space<hbm>> -> memref<64x128xf32, #tpu.memory_space<hbm>>
          %dma_wait3A_198 = arith.constant 0 : i32
          %dma_wait3A_199 = tpu.memref_slice %arg4[%sub3A_189, %dma_wait3A_198, %mul3A_2] : memref<50x64x4096xf32, #tpu.memory_space<hbm>> -> memref<1x64x128xf32, #tpu.memory_space<hbm>>
          %dma_wait3A_200 = tpu.memref_squeeze %dma_wait3A_199 : memref<1x64x128xf32, #tpu.memory_space<hbm>> -> memref<64x128xf32, #tpu.memory_space<hbm>>
          %dma_wait3A_201 = arith.constant 0 : i32
          %dma_wait3A_202 = arith.constant 0 : i32
          %dma_wait3A_203 = tpu.memref_slice %arg7[%dma_wait3A_190, %dma_wait3A_201, %dma_wait3A_202] : memref<4x64x128xf32, #tpu.memory_space<vmem>> -> memref<1x64x128xf32, #tpu.memory_space<vmem>>
          %dma_wait3A_204 = tpu.memref_squeeze %dma_wait3A_203 : memref<1x64x128xf32, #tpu.memory_space<vmem>> -> memref<64x128xf32, #tpu.memory_space<vmem>>
          tpu.wait_dma2 semaphore(%arg13 : memref<!tpu.dma_semaphore, #tpu.memory_space<semaphore_mem>>) src(%dma_wait3A_204 : memref<64x128xf32, #tpu.memory_space<vmem>>) dst(%dma_wait3A_200 : memref<64x128xf32, #tpu.memory_space<hbm>>)
        } else {
        }
        %scan3A_160 = arith.constant 1 : i32
        %scan3A_161 = arith.constant 1 : i32
        %scan3A_162 = arith.constant 0 : i32
        %scan3A_163 = arith.constant 64 : i32
        %scan3A_164 = arith.addi %scan3A_162, %scan3A_163 : i32
        %scan3A_165 = arith.constant 1 : i32
        scf.for %scan3A_189 = %scan3A_162 to %scan3A_164 step %scan3A_165  : i32 {
          %add3A_190 = arith.constant 0 : i32
          %add3A_191 = vector.broadcast %add3A_190 : i32 to vector<16xi32>
          %add3A_192 = arith.addi %iota3A, %add3A_191 : vector<16xi32>
          %broadcast_in_dim3A = vector.broadcast %scan3A_189 : i32 to vector<16xi32>
          %gather3A = arith.constant 0 : i32
          %gather3A_193 = arith.constant 0 : i32
          %gather3A_194 = tpu.memref_slice %arg6[%scan3A_160, %gather3A, %gather3A_193] : memref<4x128x128xf32, #tpu.memory_space<vmem>> -> memref<1x128x128xf32, #tpu.memory_space<vmem>>
          %gather3A_195 = tpu.memref_squeeze %gather3A_194 : memref<1x128x128xf32, #tpu.memory_space<vmem>> -> memref<128x128xf32, #tpu.memory_space<vmem>>
          %gather3A_196 = tpu.vector_load_idx %gather3A_195[%add3A_192, %broadcast_in_dim3A] : memref<128x128xf32, #tpu.memory_space<vmem>>[vector<16xi32>, vector<16xi32>], vector<16xf32>,
          %add3A_197 = arith.constant 16 : i32
          %add3A_198 = vector.broadcast %add3A_197 : i32 to vector<16xi32>
          %add3A_199 = arith.addi %iota3A, %add3A_198 : vector<16xi32>
          %broadcast_in_dim3A_200 = vector.broadcast %scan3A_189 : i32 to vector<16xi32>
          %gather3A_201 = arith.constant 0 : i32
          %gather3A_202 = arith.constant 0 : i32
          %gather3A_203 = tpu.memref_slice %arg6[%scan3A_160, %gather3A_201, %gather3A_202] : memref<4x128x128xf32, #tpu.memory_space<vmem>> -> memref<1x128x128xf32, #tpu.memory_space<vmem>>
          %gather3A_204 = tpu.memref_squeeze %gather3A_203 : memref<1x128x128xf32, #tpu.memory_space<vmem>> -> memref<128x128xf32, #tpu.memory_space<vmem>>
          %gather3A_205 = tpu.vector_load_idx %gather3A_204[%add3A_199, %broadcast_in_dim3A_200] : memref<128x128xf32, #tpu.memory_space<vmem>>[vector<16xi32>, vector<16xi32>], vector<16xf32>,
          %add3A_206 = arith.constant 32 : i32
          %add3A_207 = vector.broadcast %add3A_206 : i32 to vector<16xi32>
          %add3A_208 = arith.addi %iota3A, %add3A_207 : vector<16xi32>
          %broadcast_in_dim3A_209 = vector.broadcast %scan3A_189 : i32 to vector<16xi32>
          %gather3A_210 = arith.constant 0 : i32
          %gather3A_211 = arith.constant 0 : i32
          %gather3A_212 = tpu.memref_slice %arg6[%scan3A_160, %gather3A_210, %gather3A_211] : memref<4x128x128xf32, #tpu.memory_space<vmem>> -> memref<1x128x128xf32, #tpu.memory_space<vmem>>
          %gather3A_213 = tpu.memref_squeeze %gather3A_212 : memref<1x128x128xf32, #tpu.memory_space<vmem>> -> memref<128x128xf32, #tpu.memory_space<vmem>>
          %gather3A_214 = tpu.vector_load_idx %gather3A_213[%add3A_208, %broadcast_in_dim3A_209] : memref<128x128xf32, #tpu.memory_space<vmem>>[vector<16xi32>, vector<16xi32>], vector<16xf32>,
          %add3A_215 = arith.constant 48 : i32
          %add3A_216 = vector.broadcast %add3A_215 : i32 to vector<16xi32>
          %add3A_217 = arith.addi %iota3A, %add3A_216 : vector<16xi32>
          %broadcast_in_dim3A_218 = vector.broadcast %scan3A_189 : i32 to vector<16xi32>
          %gather3A_219 = arith.constant 0 : i32
          %gather3A_220 = arith.constant 0 : i32
          %gather3A_221 = tpu.memref_slice %arg6[%scan3A_160, %gather3A_219, %gather3A_220] : memref<4x128x128xf32, #tpu.memory_space<vmem>> -> memref<1x128x128xf32, #tpu.memory_space<vmem>>
          %gather3A_222 = tpu.memref_squeeze %gather3A_221 : memref<1x128x128xf32, #tpu.memory_space<vmem>> -> memref<128x128xf32, #tpu.memory_space<vmem>>
          %gather3A_223 = tpu.vector_load_idx %gather3A_222[%add3A_217, %broadcast_in_dim3A_218] : memref<128x128xf32, #tpu.memory_space<vmem>>[vector<16xi32>, vector<16xi32>], vector<16xf32>,
          %swap3A = arith.constant 0 : i32
          %swap3A_224 = arith.constant 0 : i32
          %swap3A_225 = tpu.memref_slice %arg7[%scan3A_161, %swap3A, %swap3A_224] : memref<4x64x128xf32, #tpu.memory_space<vmem>> -> memref<1x64x128xf32, #tpu.memory_space<vmem>>
          %swap3A_226 = tpu.memref_squeeze %swap3A_225 : memref<1x64x128xf32, #tpu.memory_space<vmem>> -> memref<64x128xf32, #tpu.memory_space<vmem>>
          %swap3A_227 = arith.index_cast %scan3A_189 : i32 to index
          %swap3A_228 = arith.constant 0 : index
          %swap3A_229 = tpu.vector_load %swap3A_226[%swap3A_227, %swap3A_228] {strides = array<i32>} : memref<64x128xf32, #tpu.memory_space<vmem>>, vector<16xf32>,
          tpu.vector_store %swap3A_226[%swap3A_227, %swap3A_228], %gather3A_196 {strides = array<i32>} : memref<64x128xf32, #tpu.memory_space<vmem>>, vector<16xf32>,
          %swap3A_230 = arith.constant 0 : i32
          %swap3A_231 = arith.constant 0 : i32
          %swap3A_232 = tpu.memref_slice %arg7[%scan3A_161, %swap3A_230, %swap3A_231] : memref<4x64x128xf32, #tpu.memory_space<vmem>> -> memref<1x64x128xf32, #tpu.memory_space<vmem>>
          %swap3A_233 = tpu.memref_squeeze %swap3A_232 : memref<1x64x128xf32, #tpu.memory_space<vmem>> -> memref<64x128xf32, #tpu.memory_space<vmem>>
          %swap3A_234 = arith.index_cast %scan3A_189 : i32 to index
          %swap3A_235 = arith.constant 16 : index
          %swap3A_236 = tpu.vector_load %swap3A_233[%swap3A_234, %swap3A_235] {strides = array<i32>} : memref<64x128xf32, #tpu.memory_space<vmem>>, vector<16xf32>,
          tpu.vector_store %swap3A_233[%swap3A_234, %swap3A_235], %gather3A_205 {strides = array<i32>} : memref<64x128xf32, #tpu.memory_space<vmem>>, vector<16xf32>,
          %swap3A_237 = arith.constant 0 : i32
          %swap3A_238 = arith.constant 0 : i32
          %swap3A_239 = tpu.memref_slice %arg7[%scan3A_161, %swap3A_237, %swap3A_238] : memref<4x64x128xf32, #tpu.memory_space<vmem>> -> memref<1x64x128xf32, #tpu.memory_space<vmem>>
          %swap3A_240 = tpu.memref_squeeze %swap3A_239 : memref<1x64x128xf32, #tpu.memory_space<vmem>> -> memref<64x128xf32, #tpu.memory_space<vmem>>
          %swap3A_241 = arith.index_cast %scan3A_189 : i32 to index
          %swap3A_242 = arith.constant 32 : index
          %swap3A_243 = tpu.vector_load %swap3A_240[%swap3A_241, %swap3A_242] {strides = array<i32>} : memref<64x128xf32, #tpu.memory_space<vmem>>, vector<16xf32>,
          tpu.vector_store %swap3A_240[%swap3A_241, %swap3A_242], %gather3A_214 {strides = array<i32>} : memref<64x128xf32, #tpu.memory_space<vmem>>, vector<16xf32>,
          %swap3A_244 = arith.constant 0 : i32
          %swap3A_245 = arith.constant 0 : i32
          %swap3A_246 = tpu.memref_slice %arg7[%scan3A_161, %swap3A_244, %swap3A_245] : memref<4x64x128xf32, #tpu.memory_space<vmem>> -> memref<1x64x128xf32, #tpu.memory_space<vmem>>
          %swap3A_247 = tpu.memref_squeeze %swap3A_246 : memref<1x64x128xf32, #tpu.memory_space<vmem>> -> memref<64x128xf32, #tpu.memory_space<vmem>>
          %swap3A_248 = arith.index_cast %scan3A_189 : i32 to index
          %swap3A_249 = arith.constant 48 : index
          %swap3A_250 = tpu.vector_load %swap3A_247[%swap3A_248, %swap3A_249] {strides = array<i32>} : memref<64x128xf32, #tpu.memory_space<vmem>>, vector<16xf32>,
          tpu.vector_store %swap3A_247[%swap3A_248, %swap3A_249], %gather3A_223 {strides = array<i32>} : memref<64x128xf32, #tpu.memory_space<vmem>>, vector<16xf32>,
          %add3A_251 = arith.constant 64 : i32
          %add3A_252 = vector.broadcast %add3A_251 : i32 to vector<16xi32>
          %add3A_253 = arith.addi %iota3A, %add3A_252 : vector<16xi32>
          %broadcast_in_dim3A_254 = vector.broadcast %scan3A_189 : i32 to vector<16xi32>
          %gather3A_255 = arith.constant 0 : i32
          %gather3A_256 = arith.constant 0 : i32
          %gather3A_257 = tpu.memref_slice %arg6[%scan3A_160, %gather3A_255, %gather3A_256] : memref<4x128x128xf32, #tpu.memory_space<vmem>> -> memref<1x128x128xf32, #tpu.memory_space<vmem>>
          %gather3A_258 = tpu.memref_squeeze %gather3A_257 : memref<1x128x128xf32, #tpu.memory_space<vmem>> -> memref<128x128xf32, #tpu.memory_space<vmem>>
          %gather3A_259 = tpu.vector_load_idx %gather3A_258[%add3A_253, %broadcast_in_dim3A_254] : memref<128x128xf32, #tpu.memory_space<vmem>>[vector<16xi32>, vector<16xi32>], vector<16xf32>,
          %add3A_260 = arith.constant 80 : i32
          %add3A_261 = vector.broadcast %add3A_260 : i32 to vector<16xi32>
          %add3A_262 = arith.addi %iota3A, %add3A_261 : vector<16xi32>
          %broadcast_in_dim3A_263 = vector.broadcast %scan3A_189 : i32 to vector<16xi32>
          %gather3A_264 = arith.constant 0 : i32
          %gather3A_265 = arith.constant 0 : i32
          %gather3A_266 = tpu.memref_slice %arg6[%scan3A_160, %gather3A_264, %gather3A_265] : memref<4x128x128xf32, #tpu.memory_space<vmem>> -> memref<1x128x128xf32, #tpu.memory_space<vmem>>
          %gather3A_267 = tpu.memref_squeeze %gather3A_266 : memref<1x128x128xf32, #tpu.memory_space<vmem>> -> memref<128x128xf32, #tpu.memory_space<vmem>>
          %gather3A_268 = tpu.vector_load_idx %gather3A_267[%add3A_262, %broadcast_in_dim3A_263] : memref<128x128xf32, #tpu.memory_space<vmem>>[vector<16xi32>, vector<16xi32>], vector<16xf32>,
          %add3A_269 = arith.constant 96 : i32
          %add3A_270 = vector.broadcast %add3A_269 : i32 to vector<16xi32>
          %add3A_271 = arith.addi %iota3A, %add3A_270 : vector<16xi32>
          %broadcast_in_dim3A_272 = vector.broadcast %scan3A_189 : i32 to vector<16xi32>
          %gather3A_273 = arith.constant 0 : i32
          %gather3A_274 = arith.constant 0 : i32
          %gather3A_275 = tpu.memref_slice %arg6[%scan3A_160, %gather3A_273, %gather3A_274] : memref<4x128x128xf32, #tpu.memory_space<vmem>> -> memref<1x128x128xf32, #tpu.memory_space<vmem>>
          %gather3A_276 = tpu.memref_squeeze %gather3A_275 : memref<1x128x128xf32, #tpu.memory_space<vmem>> -> memref<128x128xf32, #tpu.memory_space<vmem>>
          %gather3A_277 = tpu.vector_load_idx %gather3A_276[%add3A_271, %broadcast_in_dim3A_272] : memref<128x128xf32, #tpu.memory_space<vmem>>[vector<16xi32>, vector<16xi32>], vector<16xf32>,
          %add3A_278 = arith.constant 112 : i32
          %add3A_279 = vector.broadcast %add3A_278 : i32 to vector<16xi32>
          %add3A_280 = arith.addi %iota3A, %add3A_279 : vector<16xi32>
          %broadcast_in_dim3A_281 = vector.broadcast %scan3A_189 : i32 to vector<16xi32>
          %gather3A_282 = arith.constant 0 : i32
          %gather3A_283 = arith.constant 0 : i32
          %gather3A_284 = tpu.memref_slice %arg6[%scan3A_160, %gather3A_282, %gather3A_283] : memref<4x128x128xf32, #tpu.memory_space<vmem>> -> memref<1x128x128xf32, #tpu.memory_space<vmem>>
          %gather3A_285 = tpu.memref_squeeze %gather3A_284 : memref<1x128x128xf32, #tpu.memory_space<vmem>> -> memref<128x128xf32, #tpu.memory_space<vmem>>
          %gather3A_286 = tpu.vector_load_idx %gather3A_285[%add3A_280, %broadcast_in_dim3A_281] : memref<128x128xf32, #tpu.memory_space<vmem>>[vector<16xi32>, vector<16xi32>], vector<16xf32>,
          %swap3A_287 = arith.constant 0 : i32
          %swap3A_288 = arith.constant 0 : i32
          %swap3A_289 = tpu.memref_slice %arg7[%scan3A_161, %swap3A_287, %swap3A_288] : memref<4x64x128xf32, #tpu.memory_space<vmem>> -> memref<1x64x128xf32, #tpu.memory_space<vmem>>
          %swap3A_290 = tpu.memref_squeeze %swap3A_289 : memref<1x64x128xf32, #tpu.memory_space<vmem>> -> memref<64x128xf32, #tpu.memory_space<vmem>>
          %swap3A_291 = arith.index_cast %scan3A_189 : i32 to index
          %swap3A_292 = arith.constant 64 : index
          %swap3A_293 = tpu.vector_load %swap3A_290[%swap3A_291, %swap3A_292] {strides = array<i32>} : memref<64x128xf32, #tpu.memory_space<vmem>>, vector<16xf32>,
          tpu.vector_store %swap3A_290[%swap3A_291, %swap3A_292], %gather3A_259 {strides = array<i32>} : memref<64x128xf32, #tpu.memory_space<vmem>>, vector<16xf32>,
          %swap3A_294 = arith.constant 0 : i32
          %swap3A_295 = arith.constant 0 : i32
          %swap3A_296 = tpu.memref_slice %arg7[%scan3A_161, %swap3A_294, %swap3A_295] : memref<4x64x128xf32, #tpu.memory_space<vmem>> -> memref<1x64x128xf32, #tpu.memory_space<vmem>>
          %swap3A_297 = tpu.memref_squeeze %swap3A_296 : memref<1x64x128xf32, #tpu.memory_space<vmem>> -> memref<64x128xf32, #tpu.memory_space<vmem>>
          %swap3A_298 = arith.index_cast %scan3A_189 : i32 to index
          %swap3A_299 = arith.constant 80 : index
          %swap3A_300 = tpu.vector_load %swap3A_297[%swap3A_298, %swap3A_299] {strides = array<i32>} : memref<64x128xf32, #tpu.memory_space<vmem>>, vector<16xf32>,
          tpu.vector_store %swap3A_297[%swap3A_298, %swap3A_299], %gather3A_268 {strides = array<i32>} : memref<64x128xf32, #tpu.memory_space<vmem>>, vector<16xf32>,
          %swap3A_301 = arith.constant 0 : i32
          %swap3A_302 = arith.constant 0 : i32
          %swap3A_303 = tpu.memref_slice %arg7[%scan3A_161, %swap3A_301, %swap3A_302] : memref<4x64x128xf32, #tpu.memory_space<vmem>> -> memref<1x64x128xf32, #tpu.memory_space<vmem>>
          %swap3A_304 = tpu.memref_squeeze %swap3A_303 : memref<1x64x128xf32, #tpu.memory_space<vmem>> -> memref<64x128xf32, #tpu.memory_space<vmem>>
          %swap3A_305 = arith.index_cast %scan3A_189 : i32 to index
          %swap3A_306 = arith.constant 96 : index
          %swap3A_307 = tpu.vector_load %swap3A_304[%swap3A_305, %swap3A_306] {strides = array<i32>} : memref<64x128xf32, #tpu.memory_space<vmem>>, vector<16xf32>,
          tpu.vector_store %swap3A_304[%swap3A_305, %swap3A_306], %gather3A_277 {strides = array<i32>} : memref<64x128xf32, #tpu.memory_space<vmem>>, vector<16xf32>,
          %swap3A_308 = arith.constant 0 : i32
          %swap3A_309 = arith.constant 0 : i32
          %swap3A_310 = tpu.memref_slice %arg7[%scan3A_161, %swap3A_308, %swap3A_309] : memref<4x64x128xf32, #tpu.memory_space<vmem>> -> memref<1x64x128xf32, #tpu.memory_space<vmem>>
          %swap3A_311 = tpu.memref_squeeze %swap3A_310 : memref<1x64x128xf32, #tpu.memory_space<vmem>> -> memref<64x128xf32, #tpu.memory_space<vmem>>
          %swap3A_312 = arith.index_cast %scan3A_189 : i32 to index
          %swap3A_313 = arith.constant 112 : index
          %swap3A_314 = tpu.vector_load %swap3A_311[%swap3A_312, %swap3A_313] {strides = array<i32>} : memref<64x128xf32, #tpu.memory_space<vmem>>, vector<16xf32>,
          tpu.vector_store %swap3A_311[%swap3A_312, %swap3A_313], %gather3A_286 {strides = array<i32>} : memref<64x128xf32, #tpu.memory_space<vmem>>, vector<16xf32>,
        }
        %scan3A_166 = arith.constant 64 : i32
        %dma_start3A_167 = arith.constant 1 : i32
        %dma_start3A_168 = arith.constant 0 : i32
        %dma_start3A_169 = arith.constant 0 : i32
        %dma_start3A_170 = tpu.memref_slice %arg7[%dma_start3A_167, %dma_start3A_168, %dma_start3A_169] : memref<4x64x128xf32, #tpu.memory_space<vmem>> -> memref<1x64x128xf32, #tpu.memory_space<vmem>>
        %dma_start3A_171 = tpu.memref_squeeze %dma_start3A_170 : memref<1x64x128xf32, #tpu.memory_space<vmem>> -> memref<64x128xf32, #tpu.memory_space<vmem>>
        %dma_start3A_172 = arith.constant 0 : i32
        %dma_start3A_173 = tpu.memref_slice %arg4[%add3A_125, %dma_start3A_172, %mul3A_2] : memref<50x64x4096xf32, #tpu.memory_space<hbm>> -> memref<1x64x128xf32, #tpu.memory_space<hbm>>
        %dma_start3A_174 = tpu.memref_squeeze %dma_start3A_173 : memref<1x64x128xf32, #tpu.memory_space<hbm>> -> memref<64x128xf32, #tpu.memory_space<hbm>>
        %dma_start3A_175 = arith.constant 0 : i32
        %dma_start3A_176 = tpu.memref_slice %arg4[%add3A_125, %dma_start3A_175, %mul3A_2] : memref<50x64x4096xf32, #tpu.memory_space<hbm>> -> memref<1x64x128xf32, #tpu.memory_space<hbm>>
        %dma_start3A_177 = tpu.memref_squeeze %dma_start3A_176 : memref<1x64x128xf32, #tpu.memory_space<hbm>> -> memref<64x128xf32, #tpu.memory_space<hbm>>
        %dma_start3A_178 = arith.constant 0 : i32
        %dma_start3A_179 = arith.constant 0 : i32
        %dma_start3A_180 = tpu.memref_slice %arg7[%dma_start3A_167, %dma_start3A_178, %dma_start3A_179] : memref<4x64x128xf32, #tpu.memory_space<vmem>> -> memref<1x64x128xf32, #tpu.memory_space<vmem>>
        %dma_start3A_181 = tpu.memref_squeeze %dma_start3A_180 : memref<1x64x128xf32, #tpu.memory_space<vmem>> -> memref<64x128xf32, #tpu.memory_space<vmem>>
        tpu.enqueue_dma source(%dma_start3A_181 : memref<64x128xf32, #tpu.memory_space<vmem>>) target(%dma_start3A_177 : memref<64x128xf32, #tpu.memory_space<hbm>>) target_semaphore(%arg13 : memref<!tpu.dma_semaphore, #tpu.memory_space<semaphore_mem>>)
        %add3A_182 = arith.constant 4 : i32
        %add3A_183 = arith.addi %add3A_125, %add3A_182 : i32
        %lt3A_184 = arith.constant 50 : i32
        %lt3A_185 = arith.cmpi slt, %add3A_183, %lt3A_184 : i32
        %convert_element_type3A_186 = arith.extui %lt3A_185 : i1 to i32
        %cond3A_187 = arith.constant 0 : i32
        %cond3A_188 = arith.cmpi ne, %convert_element_type3A_186, %cond3A_187 : i32
        scf.if %cond3A_188 {
          %add3A_189 = arith.constant 4 : i32
          %add3A_190 = arith.addi %add3A_125, %add3A_189 : i32
          %dma_start3A_191 = arith.constant 1 : i32
          %dma_start3A_192 = arith.constant 0 : i32
          %dma_start3A_193 = arith.constant 0 : i32
          %dma_start3A_194 = tpu.memref_slice %arg6[%dma_start3A_191, %dma_start3A_192, %dma_start3A_193] : memref<4x128x128xf32, #tpu.memory_space<vmem>> -> memref<1x128x128xf32, #tpu.memory_space<vmem>>
          %dma_start3A_195 = tpu.memref_squeeze %dma_start3A_194 : memref<1x128x128xf32, #tpu.memory_space<vmem>> -> memref<128x128xf32, #tpu.memory_space<vmem>>
          %dma_start3A_196 = arith.constant 0 : i32
          %dma_start3A_197 = tpu.memref_slice %arg5[%add3A_190, %dma_start3A_196] : memref<50x128xi32, #tpu.memory_space<vmem>> -> memref<1x128xi32, #tpu.memory_space<vmem>>
          %dma_start3A_198 = tpu.memref_squeeze %dma_start3A_197 : memref<1x128xi32, #tpu.memory_space<vmem>> -> memref<128xi32, #tpu.memory_space<vmem>>
          %dma_start3A_199 = arith.constant 0 : i32
          %dma_start3A_200 = arith.constant 0 : i32
          %dma_start3A_201 = tpu.memref_slice %arg3[%dma_start3A_199, %dma_start3A_200] : memref<1000000x128xf32, #tpu.memory_space<hbm>> -> memref<1000000x128xf32, #tpu.memory_space<hbm>>
          tpu.enqueue_indirect_dma source(%dma_start3A_201 : memref<1000000x128xf32, #tpu.memory_space<hbm>>) target(%dma_start3A_195 : memref<128x128xf32, #tpu.memory_space<vmem>>) offsets(%dma_start3A_198 : memref<128xi32, #tpu.memory_space<vmem>>) semaphore(%arg9 : memref<!tpu.dma_semaphore, #tpu.memory_space<semaphore_mem>>)
        } else {
        }
      } else {
      }
      %add3A_131 = arith.constant 2 : i32
      %add3A_132 = arith.addi %mul3A_119, %add3A_131 : i32
      %lt3A_133 = arith.constant 50 : i32
      %lt3A_134 = arith.cmpi slt, %add3A_132, %lt3A_133 : i32
      %convert_element_type3A_135 = arith.extui %lt3A_134 : i1 to i32
      %cond3A_136 = arith.constant 0 : i32
      %cond3A_137 = arith.cmpi ne, %convert_element_type3A_135, %cond3A_136 : i32
      scf.if %cond3A_137 {
        %dma_wait3A_145 = arith.constant 2 : i32
        %dma_wait3A_146 = arith.constant 0 : i32
        %dma_wait3A_147 = arith.constant 0 : i32
        %dma_wait3A_148 = tpu.memref_slice %arg6[%dma_wait3A_145, %dma_wait3A_146, %dma_wait3A_147] : memref<4x128x128xf32, #tpu.memory_space<vmem>> -> memref<1x128x128xf32, #tpu.memory_space<vmem>>
        %dma_wait3A_149 = tpu.memref_squeeze %dma_wait3A_148 : memref<1x128x128xf32, #tpu.memory_space<vmem>> -> memref<128x128xf32, #tpu.memory_space<vmem>>
        %dma_wait3A_150 = arith.constant 0 : i32
        %dma_wait3A_151 = tpu.memref_slice %arg5[%add3A_132, %dma_wait3A_150] : memref<50x128xi32, #tpu.memory_space<vmem>> -> memref<1x128xi32, #tpu.memory_space<vmem>>
        %dma_wait3A_152 = tpu.memref_squeeze %dma_wait3A_151 : memref<1x128xi32, #tpu.memory_space<vmem>> -> memref<128xi32, #tpu.memory_space<vmem>>
        %dma_wait3A_153 = arith.constant 0 : i32
        %dma_wait3A_154 = arith.constant 0 : i32
        %dma_wait3A_155 = tpu.memref_slice %arg3[%dma_wait3A_153, %dma_wait3A_154] : memref<1000000x128xf32, #tpu.memory_space<hbm>> -> memref<1000000x128xf32, #tpu.memory_space<hbm>>
        tpu.wait_indirect_dma semaphore(%arg10 : memref<!tpu.dma_semaphore, #tpu.memory_space<semaphore_mem>>) src(%dma_wait3A_155 : memref<1000000x128xf32, #tpu.memory_space<hbm>>) dst(%dma_wait3A_149 : memref<128x128xf32, #tpu.memory_space<vmem>>)
        %ge3A = arith.constant 4 : i32
        %ge3A_156 = arith.cmpi sge, %add3A_132, %ge3A : i32
        %convert_element_type3A_157 = arith.extui %ge3A_156 : i1 to i32
        %cond3A_158 = arith.constant 0 : i32
        %cond3A_159 = arith.cmpi ne, %convert_element_type3A_157, %cond3A_158 : i32
        scf.if %cond3A_159 {
          %sub3A = arith.constant 4 : i32
          %sub3A_189 = arith.subi %add3A_132, %sub3A : i32
          %dma_wait3A_190 = arith.constant 2 : i32
          %dma_wait3A_191 = arith.constant 0 : i32
          %dma_wait3A_192 = arith.constant 0 : i32
          %dma_wait3A_193 = tpu.memref_slice %arg7[%dma_wait3A_190, %dma_wait3A_191, %dma_wait3A_192] : memref<4x64x128xf32, #tpu.memory_space<vmem>> -> memref<1x64x128xf32, #tpu.memory_space<vmem>>
          %dma_wait3A_194 = tpu.memref_squeeze %dma_wait3A_193 : memref<1x64x128xf32, #tpu.memory_space<vmem>> -> memref<64x128xf32, #tpu.memory_space<vmem>>
          %dma_wait3A_195 = arith.constant 0 : i32
          %dma_wait3A_196 = tpu.memref_slice %arg4[%sub3A_189, %dma_wait3A_195, %mul3A_2] : memref<50x64x4096xf32, #tpu.memory_space<hbm>> -> memref<1x64x128xf32, #tpu.memory_space<hbm>>
          %dma_wait3A_197 = tpu.memref_squeeze %dma_wait3A_196 : memref<1x64x128xf32, #tpu.memory_space<hbm>> -> memref<64x128xf32, #tpu.memory_space<hbm>>
          %dma_wait3A_198 = arith.constant 0 : i32
          %dma_wait3A_199 = tpu.memref_slice %arg4[%sub3A_189, %dma_wait3A_198, %mul3A_2] : memref<50x64x4096xf32, #tpu.memory_space<hbm>> -> memref<1x64x128xf32, #tpu.memory_space<hbm>>
          %dma_wait3A_200 = tpu.memref_squeeze %dma_wait3A_199 : memref<1x64x128xf32, #tpu.memory_space<hbm>> -> memref<64x128xf32, #tpu.memory_space<hbm>>
          %dma_wait3A_201 = arith.constant 0 : i32
          %dma_wait3A_202 = arith.constant 0 : i32
          %dma_wait3A_203 = tpu.memref_slice %arg7[%dma_wait3A_190, %dma_wait3A_201, %dma_wait3A_202] : memref<4x64x128xf32, #tpu.memory_space<vmem>> -> memref<1x64x128xf32, #tpu.memory_space<vmem>>
          %dma_wait3A_204 = tpu.memref_squeeze %dma_wait3A_203 : memref<1x64x128xf32, #tpu.memory_space<vmem>> -> memref<64x128xf32, #tpu.memory_space<vmem>>
          tpu.wait_dma2 semaphore(%arg14 : memref<!tpu.dma_semaphore, #tpu.memory_space<semaphore_mem>>) src(%dma_wait3A_204 : memref<64x128xf32, #tpu.memory_space<vmem>>) dst(%dma_wait3A_200 : memref<64x128xf32, #tpu.memory_space<hbm>>)
        } else {
        }
        %scan3A_160 = arith.constant 2 : i32
        %scan3A_161 = arith.constant 2 : i32
        %scan3A_162 = arith.constant 0 : i32
        %scan3A_163 = arith.constant 64 : i32
        %scan3A_164 = arith.addi %scan3A_162, %scan3A_163 : i32
        %scan3A_165 = arith.constant 1 : i32
        scf.for %scan3A_189 = %scan3A_162 to %scan3A_164 step %scan3A_165  : i32 {
          %add3A_190 = arith.constant 0 : i32
          %add3A_191 = vector.broadcast %add3A_190 : i32 to vector<16xi32>
          %add3A_192 = arith.addi %iota3A, %add3A_191 : vector<16xi32>
          %broadcast_in_dim3A = vector.broadcast %scan3A_189 : i32 to vector<16xi32>
          %gather3A = arith.constant 0 : i32
          %gather3A_193 = arith.constant 0 : i32
          %gather3A_194 = tpu.memref_slice %arg6[%scan3A_160, %gather3A, %gather3A_193] : memref<4x128x128xf32, #tpu.memory_space<vmem>> -> memref<1x128x128xf32, #tpu.memory_space<vmem>>
          %gather3A_195 = tpu.memref_squeeze %gather3A_194 : memref<1x128x128xf32, #tpu.memory_space<vmem>> -> memref<128x128xf32, #tpu.memory_space<vmem>>
          %gather3A_196 = tpu.vector_load_idx %gather3A_195[%add3A_192, %broadcast_in_dim3A] : memref<128x128xf32, #tpu.memory_space<vmem>>[vector<16xi32>, vector<16xi32>], vector<16xf32>,
          %add3A_197 = arith.constant 16 : i32
          %add3A_198 = vector.broadcast %add3A_197 : i32 to vector<16xi32>
          %add3A_199 = arith.addi %iota3A, %add3A_198 : vector<16xi32>
          %broadcast_in_dim3A_200 = vector.broadcast %scan3A_189 : i32 to vector<16xi32>
          %gather3A_201 = arith.constant 0 : i32
          %gather3A_202 = arith.constant 0 : i32
          %gather3A_203 = tpu.memref_slice %arg6[%scan3A_160, %gather3A_201, %gather3A_202] : memref<4x128x128xf32, #tpu.memory_space<vmem>> -> memref<1x128x128xf32, #tpu.memory_space<vmem>>
          %gather3A_204 = tpu.memref_squeeze %gather3A_203 : memref<1x128x128xf32, #tpu.memory_space<vmem>> -> memref<128x128xf32, #tpu.memory_space<vmem>>
          %gather3A_205 = tpu.vector_load_idx %gather3A_204[%add3A_199, %broadcast_in_dim3A_200] : memref<128x128xf32, #tpu.memory_space<vmem>>[vector<16xi32>, vector<16xi32>], vector<16xf32>,
          %add3A_206 = arith.constant 32 : i32
          %add3A_207 = vector.broadcast %add3A_206 : i32 to vector<16xi32>
          %add3A_208 = arith.addi %iota3A, %add3A_207 : vector<16xi32>
          %broadcast_in_dim3A_209 = vector.broadcast %scan3A_189 : i32 to vector<16xi32>
          %gather3A_210 = arith.constant 0 : i32
          %gather3A_211 = arith.constant 0 : i32
          %gather3A_212 = tpu.memref_slice %arg6[%scan3A_160, %gather3A_210, %gather3A_211] : memref<4x128x128xf32, #tpu.memory_space<vmem>> -> memref<1x128x128xf32, #tpu.memory_space<vmem>>
          %gather3A_213 = tpu.memref_squeeze %gather3A_212 : memref<1x128x128xf32, #tpu.memory_space<vmem>> -> memref<128x128xf32, #tpu.memory_space<vmem>>
          %gather3A_214 = tpu.vector_load_idx %gather3A_213[%add3A_208, %broadcast_in_dim3A_209] : memref<128x128xf32, #tpu.memory_space<vmem>>[vector<16xi32>, vector<16xi32>], vector<16xf32>,
          %add3A_215 = arith.constant 48 : i32
          %add3A_216 = vector.broadcast %add3A_215 : i32 to vector<16xi32>
          %add3A_217 = arith.addi %iota3A, %add3A_216 : vector<16xi32>
          %broadcast_in_dim3A_218 = vector.broadcast %scan3A_189 : i32 to vector<16xi32>
          %gather3A_219 = arith.constant 0 : i32
          %gather3A_220 = arith.constant 0 : i32
          %gather3A_221 = tpu.memref_slice %arg6[%scan3A_160, %gather3A_219, %gather3A_220] : memref<4x128x128xf32, #tpu.memory_space<vmem>> -> memref<1x128x128xf32, #tpu.memory_space<vmem>>
          %gather3A_222 = tpu.memref_squeeze %gather3A_221 : memref<1x128x128xf32, #tpu.memory_space<vmem>> -> memref<128x128xf32, #tpu.memory_space<vmem>>
          %gather3A_223 = tpu.vector_load_idx %gather3A_222[%add3A_217, %broadcast_in_dim3A_218] : memref<128x128xf32, #tpu.memory_space<vmem>>[vector<16xi32>, vector<16xi32>], vector<16xf32>,
          %swap3A = arith.constant 0 : i32
          %swap3A_224 = arith.constant 0 : i32
          %swap3A_225 = tpu.memref_slice %arg7[%scan3A_161, %swap3A, %swap3A_224] : memref<4x64x128xf32, #tpu.memory_space<vmem>> -> memref<1x64x128xf32, #tpu.memory_space<vmem>>
          %swap3A_226 = tpu.memref_squeeze %swap3A_225 : memref<1x64x128xf32, #tpu.memory_space<vmem>> -> memref<64x128xf32, #tpu.memory_space<vmem>>
          %swap3A_227 = arith.index_cast %scan3A_189 : i32 to index
          %swap3A_228 = arith.constant 0 : index
          %swap3A_229 = tpu.vector_load %swap3A_226[%swap3A_227, %swap3A_228] {strides = array<i32>} : memref<64x128xf32, #tpu.memory_space<vmem>>, vector<16xf32>,
          tpu.vector_store %swap3A_226[%swap3A_227, %swap3A_228], %gather3A_196 {strides = array<i32>} : memref<64x128xf32, #tpu.memory_space<vmem>>, vector<16xf32>,
          %swap3A_230 = arith.constant 0 : i32
          %swap3A_231 = arith.constant 0 : i32
          %swap3A_232 = tpu.memref_slice %arg7[%scan3A_161, %swap3A_230, %swap3A_231] : memref<4x64x128xf32, #tpu.memory_space<vmem>> -> memref<1x64x128xf32, #tpu.memory_space<vmem>>
          %swap3A_233 = tpu.memref_squeeze %swap3A_232 : memref<1x64x128xf32, #tpu.memory_space<vmem>> -> memref<64x128xf32, #tpu.memory_space<vmem>>
          %swap3A_234 = arith.index_cast %scan3A_189 : i32 to index
          %swap3A_235 = arith.constant 16 : index
          %swap3A_236 = tpu.vector_load %swap3A_233[%swap3A_234, %swap3A_235] {strides = array<i32>} : memref<64x128xf32, #tpu.memory_space<vmem>>, vector<16xf32>,
          tpu.vector_store %swap3A_233[%swap3A_234, %swap3A_235], %gather3A_205 {strides = array<i32>} : memref<64x128xf32, #tpu.memory_space<vmem>>, vector<16xf32>,
          %swap3A_237 = arith.constant 0 : i32
          %swap3A_238 = arith.constant 0 : i32
          %swap3A_239 = tpu.memref_slice %arg7[%scan3A_161, %swap3A_237, %swap3A_238] : memref<4x64x128xf32, #tpu.memory_space<vmem>> -> memref<1x64x128xf32, #tpu.memory_space<vmem>>
          %swap3A_240 = tpu.memref_squeeze %swap3A_239 : memref<1x64x128xf32, #tpu.memory_space<vmem>> -> memref<64x128xf32, #tpu.memory_space<vmem>>
          %swap3A_241 = arith.index_cast %scan3A_189 : i32 to index
          %swap3A_242 = arith.constant 32 : index
          %swap3A_243 = tpu.vector_load %swap3A_240[%swap3A_241, %swap3A_242] {strides = array<i32>} : memref<64x128xf32, #tpu.memory_space<vmem>>, vector<16xf32>,
          tpu.vector_store %swap3A_240[%swap3A_241, %swap3A_242], %gather3A_214 {strides = array<i32>} : memref<64x128xf32, #tpu.memory_space<vmem>>, vector<16xf32>,
          %swap3A_244 = arith.constant 0 : i32
          %swap3A_245 = arith.constant 0 : i32
          %swap3A_246 = tpu.memref_slice %arg7[%scan3A_161, %swap3A_244, %swap3A_245] : memref<4x64x128xf32, #tpu.memory_space<vmem>> -> memref<1x64x128xf32, #tpu.memory_space<vmem>>
          %swap3A_247 = tpu.memref_squeeze %swap3A_246 : memref<1x64x128xf32, #tpu.memory_space<vmem>> -> memref<64x128xf32, #tpu.memory_space<vmem>>
          %swap3A_248 = arith.index_cast %scan3A_189 : i32 to index
          %swap3A_249 = arith.constant 48 : index
          %swap3A_250 = tpu.vector_load %swap3A_247[%swap3A_248, %swap3A_249] {strides = array<i32>} : memref<64x128xf32, #tpu.memory_space<vmem>>, vector<16xf32>,
          tpu.vector_store %swap3A_247[%swap3A_248, %swap3A_249], %gather3A_223 {strides = array<i32>} : memref<64x128xf32, #tpu.memory_space<vmem>>, vector<16xf32>,
          %add3A_251 = arith.constant 64 : i32
          %add3A_252 = vector.broadcast %add3A_251 : i32 to vector<16xi32>
          %add3A_253 = arith.addi %iota3A, %add3A_252 : vector<16xi32>
          %broadcast_in_dim3A_254 = vector.broadcast %scan3A_189 : i32 to vector<16xi32>
          %gather3A_255 = arith.constant 0 : i32
          %gather3A_256 = arith.constant 0 : i32
          %gather3A_257 = tpu.memref_slice %arg6[%scan3A_160, %gather3A_255, %gather3A_256] : memref<4x128x128xf32, #tpu.memory_space<vmem>> -> memref<1x128x128xf32, #tpu.memory_space<vmem>>
          %gather3A_258 = tpu.memref_squeeze %gather3A_257 : memref<1x128x128xf32, #tpu.memory_space<vmem>> -> memref<128x128xf32, #tpu.memory_space<vmem>>
          %gather3A_259 = tpu.vector_load_idx %gather3A_258[%add3A_253, %broadcast_in_dim3A_254] : memref<128x128xf32, #tpu.memory_space<vmem>>[vector<16xi32>, vector<16xi32>], vector<16xf32>,
          %add3A_260 = arith.constant 80 : i32
          %add3A_261 = vector.broadcast %add3A_260 : i32 to vector<16xi32>
          %add3A_262 = arith.addi %iota3A, %add3A_261 : vector<16xi32>
          %broadcast_in_dim3A_263 = vector.broadcast %scan3A_189 : i32 to vector<16xi32>
          %gather3A_264 = arith.constant 0 : i32
          %gather3A_265 = arith.constant 0 : i32
          %gather3A_266 = tpu.memref_slice %arg6[%scan3A_160, %gather3A_264, %gather3A_265] : memref<4x128x128xf32, #tpu.memory_space<vmem>> -> memref<1x128x128xf32, #tpu.memory_space<vmem>>
          %gather3A_267 = tpu.memref_squeeze %gather3A_266 : memref<1x128x128xf32, #tpu.memory_space<vmem>> -> memref<128x128xf32, #tpu.memory_space<vmem>>
          %gather3A_268 = tpu.vector_load_idx %gather3A_267[%add3A_262, %broadcast_in_dim3A_263] : memref<128x128xf32, #tpu.memory_space<vmem>>[vector<16xi32>, vector<16xi32>], vector<16xf32>,
          %add3A_269 = arith.constant 96 : i32
          %add3A_270 = vector.broadcast %add3A_269 : i32 to vector<16xi32>
          %add3A_271 = arith.addi %iota3A, %add3A_270 : vector<16xi32>
          %broadcast_in_dim3A_272 = vector.broadcast %scan3A_189 : i32 to vector<16xi32>
          %gather3A_273 = arith.constant 0 : i32
          %gather3A_274 = arith.constant 0 : i32
          %gather3A_275 = tpu.memref_slice %arg6[%scan3A_160, %gather3A_273, %gather3A_274] : memref<4x128x128xf32, #tpu.memory_space<vmem>> -> memref<1x128x128xf32, #tpu.memory_space<vmem>>
          %gather3A_276 = tpu.memref_squeeze %gather3A_275 : memref<1x128x128xf32, #tpu.memory_space<vmem>> -> memref<128x128xf32, #tpu.memory_space<vmem>>
          %gather3A_277 = tpu.vector_load_idx %gather3A_276[%add3A_271, %broadcast_in_dim3A_272] : memref<128x128xf32, #tpu.memory_space<vmem>>[vector<16xi32>, vector<16xi32>], vector<16xf32>,
          %add3A_278 = arith.constant 112 : i32
          %add3A_279 = vector.broadcast %add3A_278 : i32 to vector<16xi32>
          %add3A_280 = arith.addi %iota3A, %add3A_279 : vector<16xi32>
          %broadcast_in_dim3A_281 = vector.broadcast %scan3A_189 : i32 to vector<16xi32>
          %gather3A_282 = arith.constant 0 : i32
          %gather3A_283 = arith.constant 0 : i32
          %gather3A_284 = tpu.memref_slice %arg6[%scan3A_160, %gather3A_282, %gather3A_283] : memref<4x128x128xf32, #tpu.memory_space<vmem>> -> memref<1x128x128xf32, #tpu.memory_space<vmem>>
          %gather3A_285 = tpu.memref_squeeze %gather3A_284 : memref<1x128x128xf32, #tpu.memory_space<vmem>> -> memref<128x128xf32, #tpu.memory_space<vmem>>
          %gather3A_286 = tpu.vector_load_idx %gather3A_285[%add3A_280, %broadcast_in_dim3A_281] : memref<128x128xf32, #tpu.memory_space<vmem>>[vector<16xi32>, vector<16xi32>], vector<16xf32>,
          %swap3A_287 = arith.constant 0 : i32
          %swap3A_288 = arith.constant 0 : i32
          %swap3A_289 = tpu.memref_slice %arg7[%scan3A_161, %swap3A_287, %swap3A_288] : memref<4x64x128xf32, #tpu.memory_space<vmem>> -> memref<1x64x128xf32, #tpu.memory_space<vmem>>
          %swap3A_290 = tpu.memref_squeeze %swap3A_289 : memref<1x64x128xf32, #tpu.memory_space<vmem>> -> memref<64x128xf32, #tpu.memory_space<vmem>>
          %swap3A_291 = arith.index_cast %scan3A_189 : i32 to index
          %swap3A_292 = arith.constant 64 : index
          %swap3A_293 = tpu.vector_load %swap3A_290[%swap3A_291, %swap3A_292] {strides = array<i32>} : memref<64x128xf32, #tpu.memory_space<vmem>>, vector<16xf32>,
          tpu.vector_store %swap3A_290[%swap3A_291, %swap3A_292], %gather3A_259 {strides = array<i32>} : memref<64x128xf32, #tpu.memory_space<vmem>>, vector<16xf32>,
          %swap3A_294 = arith.constant 0 : i32
          %swap3A_295 = arith.constant 0 : i32
          %swap3A_296 = tpu.memref_slice %arg7[%scan3A_161, %swap3A_294, %swap3A_295] : memref<4x64x128xf32, #tpu.memory_space<vmem>> -> memref<1x64x128xf32, #tpu.memory_space<vmem>>
          %swap3A_297 = tpu.memref_squeeze %swap3A_296 : memref<1x64x128xf32, #tpu.memory_space<vmem>> -> memref<64x128xf32, #tpu.memory_space<vmem>>
          %swap3A_298 = arith.index_cast %scan3A_189 : i32 to index
          %swap3A_299 = arith.constant 80 : index
          %swap3A_300 = tpu.vector_load %swap3A_297[%swap3A_298, %swap3A_299] {strides = array<i32>} : memref<64x128xf32, #tpu.memory_space<vmem>>, vector<16xf32>,
          tpu.vector_store %swap3A_297[%swap3A_298, %swap3A_299], %gather3A_268 {strides = array<i32>} : memref<64x128xf32, #tpu.memory_space<vmem>>, vector<16xf32>,
          %swap3A_301 = arith.constant 0 : i32
          %swap3A_302 = arith.constant 0 : i32
          %swap3A_303 = tpu.memref_slice %arg7[%scan3A_161, %swap3A_301, %swap3A_302] : memref<4x64x128xf32, #tpu.memory_space<vmem>> -> memref<1x64x128xf32, #tpu.memory_space<vmem>>
          %swap3A_304 = tpu.memref_squeeze %swap3A_303 : memref<1x64x128xf32, #tpu.memory_space<vmem>> -> memref<64x128xf32, #tpu.memory_space<vmem>>
          %swap3A_305 = arith.index_cast %scan3A_189 : i32 to index
          %swap3A_306 = arith.constant 96 : index
          %swap3A_307 = tpu.vector_load %swap3A_304[%swap3A_305, %swap3A_306] {strides = array<i32>} : memref<64x128xf32, #tpu.memory_space<vmem>>, vector<16xf32>,
          tpu.vector_store %swap3A_304[%swap3A_305, %swap3A_306], %gather3A_277 {strides = array<i32>} : memref<64x128xf32, #tpu.memory_space<vmem>>, vector<16xf32>,
          %swap3A_308 = arith.constant 0 : i32
          %swap3A_309 = arith.constant 0 : i32
          %swap3A_310 = tpu.memref_slice %arg7[%scan3A_161, %swap3A_308, %swap3A_309] : memref<4x64x128xf32, #tpu.memory_space<vmem>> -> memref<1x64x128xf32, #tpu.memory_space<vmem>>
          %swap3A_311 = tpu.memref_squeeze %swap3A_310 : memref<1x64x128xf32, #tpu.memory_space<vmem>> -> memref<64x128xf32, #tpu.memory_space<vmem>>
          %swap3A_312 = arith.index_cast %scan3A_189 : i32 to index
          %swap3A_313 = arith.constant 112 : index
          %swap3A_314 = tpu.vector_load %swap3A_311[%swap3A_312, %swap3A_313] {strides = array<i32>} : memref<64x128xf32, #tpu.memory_space<vmem>>, vector<16xf32>,
          tpu.vector_store %swap3A_311[%swap3A_312, %swap3A_313], %gather3A_286 {strides = array<i32>} : memref<64x128xf32, #tpu.memory_space<vmem>>, vector<16xf32>,
        }
        %scan3A_166 = arith.constant 64 : i32
        %dma_start3A_167 = arith.constant 2 : i32
        %dma_start3A_168 = arith.constant 0 : i32
        %dma_start3A_169 = arith.constant 0 : i32
        %dma_start3A_170 = tpu.memref_slice %arg7[%dma_start3A_167, %dma_start3A_168, %dma_start3A_169] : memref<4x64x128xf32, #tpu.memory_space<vmem>> -> memref<1x64x128xf32, #tpu.memory_space<vmem>>
        %dma_start3A_171 = tpu.memref_squeeze %dma_start3A_170 : memref<1x64x128xf32, #tpu.memory_space<vmem>> -> memref<64x128xf32, #tpu.memory_space<vmem>>
        %dma_start3A_172 = arith.constant 0 : i32
        %dma_start3A_173 = tpu.memref_slice %arg4[%add3A_132, %dma_start3A_172, %mul3A_2] : memref<50x64x4096xf32, #tpu.memory_space<hbm>> -> memref<1x64x128xf32, #tpu.memory_space<hbm>>
        %dma_start3A_174 = tpu.memref_squeeze %dma_start3A_173 : memref<1x64x128xf32, #tpu.memory_space<hbm>> -> memref<64x128xf32, #tpu.memory_space<hbm>>
        %dma_start3A_175 = arith.constant 0 : i32
        %dma_start3A_176 = tpu.memref_slice %arg4[%add3A_132, %dma_start3A_175, %mul3A_2] : memref<50x64x4096xf32, #tpu.memory_space<hbm>> -> memref<1x64x128xf32, #tpu.memory_space<hbm>>
        %dma_start3A_177 = tpu.memref_squeeze %dma_start3A_176 : memref<1x64x128xf32, #tpu.memory_space<hbm>> -> memref<64x128xf32, #tpu.memory_space<hbm>>
        %dma_start3A_178 = arith.constant 0 : i32
        %dma_start3A_179 = arith.constant 0 : i32
        %dma_start3A_180 = tpu.memref_slice %arg7[%dma_start3A_167, %dma_start3A_178, %dma_start3A_179] : memref<4x64x128xf32, #tpu.memory_space<vmem>> -> memref<1x64x128xf32, #tpu.memory_space<vmem>>
        %dma_start3A_181 = tpu.memref_squeeze %dma_start3A_180 : memref<1x64x128xf32, #tpu.memory_space<vmem>> -> memref<64x128xf32, #tpu.memory_space<vmem>>
        tpu.enqueue_dma source(%dma_start3A_181 : memref<64x128xf32, #tpu.memory_space<vmem>>) target(%dma_start3A_177 : memref<64x128xf32, #tpu.memory_space<hbm>>) target_semaphore(%arg14 : memref<!tpu.dma_semaphore, #tpu.memory_space<semaphore_mem>>)
        %add3A_182 = arith.constant 4 : i32
        %add3A_183 = arith.addi %add3A_132, %add3A_182 : i32
        %lt3A_184 = arith.constant 50 : i32
        %lt3A_185 = arith.cmpi slt, %add3A_183, %lt3A_184 : i32
        %convert_element_type3A_186 = arith.extui %lt3A_185 : i1 to i32
        %cond3A_187 = arith.constant 0 : i32
        %cond3A_188 = arith.cmpi ne, %convert_element_type3A_186, %cond3A_187 : i32
        scf.if %cond3A_188 {
          %add3A_189 = arith.constant 4 : i32
          %add3A_190 = arith.addi %add3A_132, %add3A_189 : i32
          %dma_start3A_191 = arith.constant 2 : i32
          %dma_start3A_192 = arith.constant 0 : i32
          %dma_start3A_193 = arith.constant 0 : i32
          %dma_start3A_194 = tpu.memref_slice %arg6[%dma_start3A_191, %dma_start3A_192, %dma_start3A_193] : memref<4x128x128xf32, #tpu.memory_space<vmem>> -> memref<1x128x128xf32, #tpu.memory_space<vmem>>
          %dma_start3A_195 = tpu.memref_squeeze %dma_start3A_194 : memref<1x128x128xf32, #tpu.memory_space<vmem>> -> memref<128x128xf32, #tpu.memory_space<vmem>>
          %dma_start3A_196 = arith.constant 0 : i32
          %dma_start3A_197 = tpu.memref_slice %arg5[%add3A_190, %dma_start3A_196] : memref<50x128xi32, #tpu.memory_space<vmem>> -> memref<1x128xi32, #tpu.memory_space<vmem>>
          %dma_start3A_198 = tpu.memref_squeeze %dma_start3A_197 : memref<1x128xi32, #tpu.memory_space<vmem>> -> memref<128xi32, #tpu.memory_space<vmem>>
          %dma_start3A_199 = arith.constant 0 : i32
          %dma_start3A_200 = arith.constant 0 : i32
          %dma_start3A_201 = tpu.memref_slice %arg3[%dma_start3A_199, %dma_start3A_200] : memref<1000000x128xf32, #tpu.memory_space<hbm>> -> memref<1000000x128xf32, #tpu.memory_space<hbm>>
          tpu.enqueue_indirect_dma source(%dma_start3A_201 : memref<1000000x128xf32, #tpu.memory_space<hbm>>) target(%dma_start3A_195 : memref<128x128xf32, #tpu.memory_space<vmem>>) offsets(%dma_start3A_198 : memref<128xi32, #tpu.memory_space<vmem>>) semaphore(%arg10 : memref<!tpu.dma_semaphore, #tpu.memory_space<semaphore_mem>>)
        } else {
        }
      } else {
      }
      %add3A_138 = arith.constant 3 : i32
      %add3A_139 = arith.addi %mul3A_119, %add3A_138 : i32
      %lt3A_140 = arith.constant 50 : i32
      %lt3A_141 = arith.cmpi slt, %add3A_139, %lt3A_140 : i32
      %convert_element_type3A_142 = arith.extui %lt3A_141 : i1 to i32
      %cond3A_143 = arith.constant 0 : i32
      %cond3A_144 = arith.cmpi ne, %convert_element_type3A_142, %cond3A_143 : i32
      scf.if %cond3A_144 {
        %dma_wait3A_145 = arith.constant 3 : i32
        %dma_wait3A_146 = arith.constant 0 : i32
        %dma_wait3A_147 = arith.constant 0 : i32
        %dma_wait3A_148 = tpu.memref_slice %arg6[%dma_wait3A_145, %dma_wait3A_146, %dma_wait3A_147] : memref<4x128x128xf32, #tpu.memory_space<vmem>> -> memref<1x128x128xf32, #tpu.memory_space<vmem>>
        %dma_wait3A_149 = tpu.memref_squeeze %dma_wait3A_148 : memref<1x128x128xf32, #tpu.memory_space<vmem>> -> memref<128x128xf32, #tpu.memory_space<vmem>>
        %dma_wait3A_150 = arith.constant 0 : i32
        %dma_wait3A_151 = tpu.memref_slice %arg5[%add3A_139, %dma_wait3A_150] : memref<50x128xi32, #tpu.memory_space<vmem>> -> memref<1x128xi32, #tpu.memory_space<vmem>>
        %dma_wait3A_152 = tpu.memref_squeeze %dma_wait3A_151 : memref<1x128xi32, #tpu.memory_space<vmem>> -> memref<128xi32, #tpu.memory_space<vmem>>
        %dma_wait3A_153 = arith.constant 0 : i32
        %dma_wait3A_154 = arith.constant 0 : i32
        %dma_wait3A_155 = tpu.memref_slice %arg3[%dma_wait3A_153, %dma_wait3A_154] : memref<1000000x128xf32, #tpu.memory_space<hbm>> -> memref<1000000x128xf32, #tpu.memory_space<hbm>>
        tpu.wait_indirect_dma semaphore(%arg11 : memref<!tpu.dma_semaphore, #tpu.memory_space<semaphore_mem>>) src(%dma_wait3A_155 : memref<1000000x128xf32, #tpu.memory_space<hbm>>) dst(%dma_wait3A_149 : memref<128x128xf32, #tpu.memory_space<vmem>>)
        %ge3A = arith.constant 4 : i32
        %ge3A_156 = arith.cmpi sge, %add3A_139, %ge3A : i32
        %convert_element_type3A_157 = arith.extui %ge3A_156 : i1 to i32
        %cond3A_158 = arith.constant 0 : i32
        %cond3A_159 = arith.cmpi ne, %convert_element_type3A_157, %cond3A_158 : i32
        scf.if %cond3A_159 {
          %sub3A = arith.constant 4 : i32
          %sub3A_189 = arith.subi %add3A_139, %sub3A : i32
          %dma_wait3A_190 = arith.constant 3 : i32
          %dma_wait3A_191 = arith.constant 0 : i32
          %dma_wait3A_192 = arith.constant 0 : i32
          %dma_wait3A_193 = tpu.memref_slice %arg7[%dma_wait3A_190, %dma_wait3A_191, %dma_wait3A_192] : memref<4x64x128xf32, #tpu.memory_space<vmem>> -> memref<1x64x128xf32, #tpu.memory_space<vmem>>
          %dma_wait3A_194 = tpu.memref_squeeze %dma_wait3A_193 : memref<1x64x128xf32, #tpu.memory_space<vmem>> -> memref<64x128xf32, #tpu.memory_space<vmem>>
          %dma_wait3A_195 = arith.constant 0 : i32
          %dma_wait3A_196 = tpu.memref_slice %arg4[%sub3A_189, %dma_wait3A_195, %mul3A_2] : memref<50x64x4096xf32, #tpu.memory_space<hbm>> -> memref<1x64x128xf32, #tpu.memory_space<hbm>>
          %dma_wait3A_197 = tpu.memref_squeeze %dma_wait3A_196 : memref<1x64x128xf32, #tpu.memory_space<hbm>> -> memref<64x128xf32, #tpu.memory_space<hbm>>
          %dma_wait3A_198 = arith.constant 0 : i32
          %dma_wait3A_199 = tpu.memref_slice %arg4[%sub3A_189, %dma_wait3A_198, %mul3A_2] : memref<50x64x4096xf32, #tpu.memory_space<hbm>> -> memref<1x64x128xf32, #tpu.memory_space<hbm>>
          %dma_wait3A_200 = tpu.memref_squeeze %dma_wait3A_199 : memref<1x64x128xf32, #tpu.memory_space<hbm>> -> memref<64x128xf32, #tpu.memory_space<hbm>>
          %dma_wait3A_201 = arith.constant 0 : i32
          %dma_wait3A_202 = arith.constant 0 : i32
          %dma_wait3A_203 = tpu.memref_slice %arg7[%dma_wait3A_190, %dma_wait3A_201, %dma_wait3A_202] : memref<4x64x128xf32, #tpu.memory_space<vmem>> -> memref<1x64x128xf32, #tpu.memory_space<vmem>>
          %dma_wait3A_204 = tpu.memref_squeeze %dma_wait3A_203 : memref<1x64x128xf32, #tpu.memory_space<vmem>> -> memref<64x128xf32, #tpu.memory_space<vmem>>
          tpu.wait_dma2 semaphore(%arg15 : memref<!tpu.dma_semaphore, #tpu.memory_space<semaphore_mem>>) src(%dma_wait3A_204 : memref<64x128xf32, #tpu.memory_space<vmem>>) dst(%dma_wait3A_200 : memref<64x128xf32, #tpu.memory_space<hbm>>)
        } else {
        }
        %scan3A_160 = arith.constant 3 : i32
        %scan3A_161 = arith.constant 3 : i32
        %scan3A_162 = arith.constant 0 : i32
        %scan3A_163 = arith.constant 64 : i32
        %scan3A_164 = arith.addi %scan3A_162, %scan3A_163 : i32
        %scan3A_165 = arith.constant 1 : i32
        scf.for %scan3A_189 = %scan3A_162 to %scan3A_164 step %scan3A_165  : i32 {
          %add3A_190 = arith.constant 0 : i32
          %add3A_191 = vector.broadcast %add3A_190 : i32 to vector<16xi32>
          %add3A_192 = arith.addi %iota3A, %add3A_191 : vector<16xi32>
          %broadcast_in_dim3A = vector.broadcast %scan3A_189 : i32 to vector<16xi32>
          %gather3A = arith.constant 0 : i32
          %gather3A_193 = arith.constant 0 : i32
          %gather3A_194 = tpu.memref_slice %arg6[%scan3A_160, %gather3A, %gather3A_193] : memref<4x128x128xf32, #tpu.memory_space<vmem>> -> memref<1x128x128xf32, #tpu.memory_space<vmem>>
          %gather3A_195 = tpu.memref_squeeze %gather3A_194 : memref<1x128x128xf32, #tpu.memory_space<vmem>> -> memref<128x128xf32, #tpu.memory_space<vmem>>
          %gather3A_196 = tpu.vector_load_idx %gather3A_195[%add3A_192, %broadcast_in_dim3A] : memref<128x128xf32, #tpu.memory_space<vmem>>[vector<16xi32>, vector<16xi32>], vector<16xf32>,
          %add3A_197 = arith.constant 16 : i32
          %add3A_198 = vector.broadcast %add3A_197 : i32 to vector<16xi32>
          %add3A_199 = arith.addi %iota3A, %add3A_198 : vector<16xi32>
          %broadcast_in_dim3A_200 = vector.broadcast %scan3A_189 : i32 to vector<16xi32>
          %gather3A_201 = arith.constant 0 : i32
          %gather3A_202 = arith.constant 0 : i32
          %gather3A_203 = tpu.memref_slice %arg6[%scan3A_160, %gather3A_201, %gather3A_202] : memref<4x128x128xf32, #tpu.memory_space<vmem>> -> memref<1x128x128xf32, #tpu.memory_space<vmem>>
          %gather3A_204 = tpu.memref_squeeze %gather3A_203 : memref<1x128x128xf32, #tpu.memory_space<vmem>> -> memref<128x128xf32, #tpu.memory_space<vmem>>
          %gather3A_205 = tpu.vector_load_idx %gather3A_204[%add3A_199, %broadcast_in_dim3A_200] : memref<128x128xf32, #tpu.memory_space<vmem>>[vector<16xi32>, vector<16xi32>], vector<16xf32>,
          %add3A_206 = arith.constant 32 : i32
          %add3A_207 = vector.broadcast %add3A_206 : i32 to vector<16xi32>
          %add3A_208 = arith.addi %iota3A, %add3A_207 : vector<16xi32>
          %broadcast_in_dim3A_209 = vector.broadcast %scan3A_189 : i32 to vector<16xi32>
          %gather3A_210 = arith.constant 0 : i32
          %gather3A_211 = arith.constant 0 : i32
          %gather3A_212 = tpu.memref_slice %arg6[%scan3A_160, %gather3A_210, %gather3A_211] : memref<4x128x128xf32, #tpu.memory_space<vmem>> -> memref<1x128x128xf32, #tpu.memory_space<vmem>>
          %gather3A_213 = tpu.memref_squeeze %gather3A_212 : memref<1x128x128xf32, #tpu.memory_space<vmem>> -> memref<128x128xf32, #tpu.memory_space<vmem>>
          %gather3A_214 = tpu.vector_load_idx %gather3A_213[%add3A_208, %broadcast_in_dim3A_209] : memref<128x128xf32, #tpu.memory_space<vmem>>[vector<16xi32>, vector<16xi32>], vector<16xf32>,
          %add3A_215 = arith.constant 48 : i32
          %add3A_216 = vector.broadcast %add3A_215 : i32 to vector<16xi32>
          %add3A_217 = arith.addi %iota3A, %add3A_216 : vector<16xi32>
          %broadcast_in_dim3A_218 = vector.broadcast %scan3A_189 : i32 to vector<16xi32>
          %gather3A_219 = arith.constant 0 : i32
          %gather3A_220 = arith.constant 0 : i32
          %gather3A_221 = tpu.memref_slice %arg6[%scan3A_160, %gather3A_219, %gather3A_220] : memref<4x128x128xf32, #tpu.memory_space<vmem>> -> memref<1x128x128xf32, #tpu.memory_space<vmem>>
          %gather3A_222 = tpu.memref_squeeze %gather3A_221 : memref<1x128x128xf32, #tpu.memory_space<vmem>> -> memref<128x128xf32, #tpu.memory_space<vmem>>
          %gather3A_223 = tpu.vector_load_idx %gather3A_222[%add3A_217, %broadcast_in_dim3A_218] : memref<128x128xf32, #tpu.memory_space<vmem>>[vector<16xi32>, vector<16xi32>], vector<16xf32>,
          %swap3A = arith.constant 0 : i32
          %swap3A_224 = arith.constant 0 : i32
          %swap3A_225 = tpu.memref_slice %arg7[%scan3A_161, %swap3A, %swap3A_224] : memref<4x64x128xf32, #tpu.memory_space<vmem>> -> memref<1x64x128xf32, #tpu.memory_space<vmem>>
          %swap3A_226 = tpu.memref_squeeze %swap3A_225 : memref<1x64x128xf32, #tpu.memory_space<vmem>> -> memref<64x128xf32, #tpu.memory_space<vmem>>
          %swap3A_227 = arith.index_cast %scan3A_189 : i32 to index
          %swap3A_228 = arith.constant 0 : index
          %swap3A_229 = tpu.vector_load %swap3A_226[%swap3A_227, %swap3A_228] {strides = array<i32>} : memref<64x128xf32, #tpu.memory_space<vmem>>, vector<16xf32>,
          tpu.vector_store %swap3A_226[%swap3A_227, %swap3A_228], %gather3A_196 {strides = array<i32>} : memref<64x128xf32, #tpu.memory_space<vmem>>, vector<16xf32>,
          %swap3A_230 = arith.constant 0 : i32
          %swap3A_231 = arith.constant 0 : i32
          %swap3A_232 = tpu.memref_slice %arg7[%scan3A_161, %swap3A_230, %swap3A_231] : memref<4x64x128xf32, #tpu.memory_space<vmem>> -> memref<1x64x128xf32, #tpu.memory_space<vmem>>
          %swap3A_233 = tpu.memref_squeeze %swap3A_232 : memref<1x64x128xf32, #tpu.memory_space<vmem>> -> memref<64x128xf32, #tpu.memory_space<vmem>>
          %swap3A_234 = arith.index_cast %scan3A_189 : i32 to index
          %swap3A_235 = arith.constant 16 : index
          %swap3A_236 = tpu.vector_load %swap3A_233[%swap3A_234, %swap3A_235] {strides = array<i32>} : memref<64x128xf32, #tpu.memory_space<vmem>>, vector<16xf32>,
          tpu.vector_store %swap3A_233[%swap3A_234, %swap3A_235], %gather3A_205 {strides = array<i32>} : memref<64x128xf32, #tpu.memory_space<vmem>>, vector<16xf32>,
          %swap3A_237 = arith.constant 0 : i32
          %swap3A_238 = arith.constant 0 : i32
          %swap3A_239 = tpu.memref_slice %arg7[%scan3A_161, %swap3A_237, %swap3A_238] : memref<4x64x128xf32, #tpu.memory_space<vmem>> -> memref<1x64x128xf32, #tpu.memory_space<vmem>>
          %swap3A_240 = tpu.memref_squeeze %swap3A_239 : memref<1x64x128xf32, #tpu.memory_space<vmem>> -> memref<64x128xf32, #tpu.memory_space<vmem>>
          %swap3A_241 = arith.index_cast %scan3A_189 : i32 to index
          %swap3A_242 = arith.constant 32 : index
          %swap3A_243 = tpu.vector_load %swap3A_240[%swap3A_241, %swap3A_242] {strides = array<i32>} : memref<64x128xf32, #tpu.memory_space<vmem>>, vector<16xf32>,
          tpu.vector_store %swap3A_240[%swap3A_241, %swap3A_242], %gather3A_214 {strides = array<i32>} : memref<64x128xf32, #tpu.memory_space<vmem>>, vector<16xf32>,
          %swap3A_244 = arith.constant 0 : i32
          %swap3A_245 = arith.constant 0 : i32
          %swap3A_246 = tpu.memref_slice %arg7[%scan3A_161, %swap3A_244, %swap3A_245] : memref<4x64x128xf32, #tpu.memory_space<vmem>> -> memref<1x64x128xf32, #tpu.memory_space<vmem>>
          %swap3A_247 = tpu.memref_squeeze %swap3A_246 : memref<1x64x128xf32, #tpu.memory_space<vmem>> -> memref<64x128xf32, #tpu.memory_space<vmem>>
          %swap3A_248 = arith.index_cast %scan3A_189 : i32 to index
          %swap3A_249 = arith.constant 48 : index
          %swap3A_250 = tpu.vector_load %swap3A_247[%swap3A_248, %swap3A_249] {strides = array<i32>} : memref<64x128xf32, #tpu.memory_space<vmem>>, vector<16xf32>,
          tpu.vector_store %swap3A_247[%swap3A_248, %swap3A_249], %gather3A_223 {strides = array<i32>} : memref<64x128xf32, #tpu.memory_space<vmem>>, vector<16xf32>,
          %add3A_251 = arith.constant 64 : i32
          %add3A_252 = vector.broadcast %add3A_251 : i32 to vector<16xi32>
          %add3A_253 = arith.addi %iota3A, %add3A_252 : vector<16xi32>
          %broadcast_in_dim3A_254 = vector.broadcast %scan3A_189 : i32 to vector<16xi32>
          %gather3A_255 = arith.constant 0 : i32
          %gather3A_256 = arith.constant 0 : i32
          %gather3A_257 = tpu.memref_slice %arg6[%scan3A_160, %gather3A_255, %gather3A_256] : memref<4x128x128xf32, #tpu.memory_space<vmem>> -> memref<1x128x128xf32, #tpu.memory_space<vmem>>
          %gather3A_258 = tpu.memref_squeeze %gather3A_257 : memref<1x128x128xf32, #tpu.memory_space<vmem>> -> memref<128x128xf32, #tpu.memory_space<vmem>>
          %gather3A_259 = tpu.vector_load_idx %gather3A_258[%add3A_253, %broadcast_in_dim3A_254] : memref<128x128xf32, #tpu.memory_space<vmem>>[vector<16xi32>, vector<16xi32>], vector<16xf32>,
          %add3A_260 = arith.constant 80 : i32
          %add3A_261 = vector.broadcast %add3A_260 : i32 to vector<16xi32>
          %add3A_262 = arith.addi %iota3A, %add3A_261 : vector<16xi32>
          %broadcast_in_dim3A_263 = vector.broadcast %scan3A_189 : i32 to vector<16xi32>
          %gather3A_264 = arith.constant 0 : i32
          %gather3A_265 = arith.constant 0 : i32
          %gather3A_266 = tpu.memref_slice %arg6[%scan3A_160, %gather3A_264, %gather3A_265] : memref<4x128x128xf32, #tpu.memory_space<vmem>> -> memref<1x128x128xf32, #tpu.memory_space<vmem>>
          %gather3A_267 = tpu.memref_squeeze %gather3A_266 : memref<1x128x128xf32, #tpu.memory_space<vmem>> -> memref<128x128xf32, #tpu.memory_space<vmem>>
          %gather3A_268 = tpu.vector_load_idx %gather3A_267[%add3A_262, %broadcast_in_dim3A_263] : memref<128x128xf32, #tpu.memory_space<vmem>>[vector<16xi32>, vector<16xi32>], vector<16xf32>,
          %add3A_269 = arith.constant 96 : i32
          %add3A_270 = vector.broadcast %add3A_269 : i32 to vector<16xi32>
          %add3A_271 = arith.addi %iota3A, %add3A_270 : vector<16xi32>
          %broadcast_in_dim3A_272 = vector.broadcast %scan3A_189 : i32 to vector<16xi32>
          %gather3A_273 = arith.constant 0 : i32
          %gather3A_274 = arith.constant 0 : i32
          %gather3A_275 = tpu.memref_slice %arg6[%scan3A_160, %gather3A_273, %gather3A_274] : memref<4x128x128xf32, #tpu.memory_space<vmem>> -> memref<1x128x128xf32, #tpu.memory_space<vmem>>
          %gather3A_276 = tpu.memref_squeeze %gather3A_275 : memref<1x128x128xf32, #tpu.memory_space<vmem>> -> memref<128x128xf32, #tpu.memory_space<vmem>>
          %gather3A_277 = tpu.vector_load_idx %gather3A_276[%add3A_271, %broadcast_in_dim3A_272] : memref<128x128xf32, #tpu.memory_space<vmem>>[vector<16xi32>, vector<16xi32>], vector<16xf32>,
          %add3A_278 = arith.constant 112 : i32
          %add3A_279 = vector.broadcast %add3A_278 : i32 to vector<16xi32>
          %add3A_280 = arith.addi %iota3A, %add3A_279 : vector<16xi32>
          %broadcast_in_dim3A_281 = vector.broadcast %scan3A_189 : i32 to vector<16xi32>
          %gather3A_282 = arith.constant 0 : i32
          %gather3A_283 = arith.constant 0 : i32
          %gather3A_284 = tpu.memref_slice %arg6[%scan3A_160, %gather3A_282, %gather3A_283] : memref<4x128x128xf32, #tpu.memory_space<vmem>> -> memref<1x128x128xf32, #tpu.memory_space<vmem>>
          %gather3A_285 = tpu.memref_squeeze %gather3A_284 : memref<1x128x128xf32, #tpu.memory_space<vmem>> -> memref<128x128xf32, #tpu.memory_space<vmem>>
          %gather3A_286 = tpu.vector_load_idx %gather3A_285[%add3A_280, %broadcast_in_dim3A_281] : memref<128x128xf32, #tpu.memory_space<vmem>>[vector<16xi32>, vector<16xi32>], vector<16xf32>,
          %swap3A_287 = arith.constant 0 : i32
          %swap3A_288 = arith.constant 0 : i32
          %swap3A_289 = tpu.memref_slice %arg7[%scan3A_161, %swap3A_287, %swap3A_288] : memref<4x64x128xf32, #tpu.memory_space<vmem>> -> memref<1x64x128xf32, #tpu.memory_space<vmem>>
          %swap3A_290 = tpu.memref_squeeze %swap3A_289 : memref<1x64x128xf32, #tpu.memory_space<vmem>> -> memref<64x128xf32, #tpu.memory_space<vmem>>
          %swap3A_291 = arith.index_cast %scan3A_189 : i32 to index
          %swap3A_292 = arith.constant 64 : index
          %swap3A_293 = tpu.vector_load %swap3A_290[%swap3A_291, %swap3A_292] {strides = array<i32>} : memref<64x128xf32, #tpu.memory_space<vmem>>, vector<16xf32>,
          tpu.vector_store %swap3A_290[%swap3A_291, %swap3A_292], %gather3A_259 {strides = array<i32>} : memref<64x128xf32, #tpu.memory_space<vmem>>, vector<16xf32>,
          %swap3A_294 = arith.constant 0 : i32
          %swap3A_295 = arith.constant 0 : i32
          %swap3A_296 = tpu.memref_slice %arg7[%scan3A_161, %swap3A_294, %swap3A_295] : memref<4x64x128xf32, #tpu.memory_space<vmem>> -> memref<1x64x128xf32, #tpu.memory_space<vmem>>
          %swap3A_297 = tpu.memref_squeeze %swap3A_296 : memref<1x64x128xf32, #tpu.memory_space<vmem>> -> memref<64x128xf32, #tpu.memory_space<vmem>>
          %swap3A_298 = arith.index_cast %scan3A_189 : i32 to index
          %swap3A_299 = arith.constant 80 : index
          %swap3A_300 = tpu.vector_load %swap3A_297[%swap3A_298, %swap3A_299] {strides = array<i32>} : memref<64x128xf32, #tpu.memory_space<vmem>>, vector<16xf32>,
          tpu.vector_store %swap3A_297[%swap3A_298, %swap3A_299], %gather3A_268 {strides = array<i32>} : memref<64x128xf32, #tpu.memory_space<vmem>>, vector<16xf32>,
          %swap3A_301 = arith.constant 0 : i32
          %swap3A_302 = arith.constant 0 : i32
          %swap3A_303 = tpu.memref_slice %arg7[%scan3A_161, %swap3A_301, %swap3A_302] : memref<4x64x128xf32, #tpu.memory_space<vmem>> -> memref<1x64x128xf32, #tpu.memory_space<vmem>>
          %swap3A_304 = tpu.memref_squeeze %swap3A_303 : memref<1x64x128xf32, #tpu.memory_space<vmem>> -> memref<64x128xf32, #tpu.memory_space<vmem>>
          %swap3A_305 = arith.index_cast %scan3A_189 : i32 to index
          %swap3A_306 = arith.constant 96 : index
          %swap3A_307 = tpu.vector_load %swap3A_304[%swap3A_305, %swap3A_306] {strides = array<i32>} : memref<64x128xf32, #tpu.memory_space<vmem>>, vector<16xf32>,
          tpu.vector_store %swap3A_304[%swap3A_305, %swap3A_306], %gather3A_277 {strides = array<i32>} : memref<64x128xf32, #tpu.memory_space<vmem>>, vector<16xf32>,
          %swap3A_308 = arith.constant 0 : i32
          %swap3A_309 = arith.constant 0 : i32
          %swap3A_310 = tpu.memref_slice %arg7[%scan3A_161, %swap3A_308, %swap3A_309] : memref<4x64x128xf32, #tpu.memory_space<vmem>> -> memref<1x64x128xf32, #tpu.memory_space<vmem>>
          %swap3A_311 = tpu.memref_squeeze %swap3A_310 : memref<1x64x128xf32, #tpu.memory_space<vmem>> -> memref<64x128xf32, #tpu.memory_space<vmem>>
          %swap3A_312 = arith.index_cast %scan3A_189 : i32 to index
          %swap3A_313 = arith.constant 112 : index
          %swap3A_314 = tpu.vector_load %swap3A_311[%swap3A_312, %swap3A_313] {strides = array<i32>} : memref<64x128xf32, #tpu.memory_space<vmem>>, vector<16xf32>,
          tpu.vector_store %swap3A_311[%swap3A_312, %swap3A_313], %gather3A_286 {strides = array<i32>} : memref<64x128xf32, #tpu.memory_space<vmem>>, vector<16xf32>,
        }
        %scan3A_166 = arith.constant 64 : i32
        %dma_start3A_167 = arith.constant 3 : i32
        %dma_start3A_168 = arith.constant 0 : i32
        %dma_start3A_169 = arith.constant 0 : i32
        %dma_start3A_170 = tpu.memref_slice %arg7[%dma_start3A_167, %dma_start3A_168, %dma_start3A_169] : memref<4x64x128xf32, #tpu.memory_space<vmem>> -> memref<1x64x128xf32, #tpu.memory_space<vmem>>
        %dma_start3A_171 = tpu.memref_squeeze %dma_start3A_170 : memref<1x64x128xf32, #tpu.memory_space<vmem>> -> memref<64x128xf32, #tpu.memory_space<vmem>>
        %dma_start3A_172 = arith.constant 0 : i32
        %dma_start3A_173 = tpu.memref_slice %arg4[%add3A_139, %dma_start3A_172, %mul3A_2] : memref<50x64x4096xf32, #tpu.memory_space<hbm>> -> memref<1x64x128xf32, #tpu.memory_space<hbm>>
        %dma_start3A_174 = tpu.memref_squeeze %dma_start3A_173 : memref<1x64x128xf32, #tpu.memory_space<hbm>> -> memref<64x128xf32, #tpu.memory_space<hbm>>
        %dma_start3A_175 = arith.constant 0 : i32
        %dma_start3A_176 = tpu.memref_slice %arg4[%add3A_139, %dma_start3A_175, %mul3A_2] : memref<50x64x4096xf32, #tpu.memory_space<hbm>> -> memref<1x64x128xf32, #tpu.memory_space<hbm>>
        %dma_start3A_177 = tpu.memref_squeeze %dma_start3A_176 : memref<1x64x128xf32, #tpu.memory_space<hbm>> -> memref<64x128xf32, #tpu.memory_space<hbm>>
        %dma_start3A_178 = arith.constant 0 : i32
        %dma_start3A_179 = arith.constant 0 : i32
        %dma_start3A_180 = tpu.memref_slice %arg7[%dma_start3A_167, %dma_start3A_178, %dma_start3A_179] : memref<4x64x128xf32, #tpu.memory_space<vmem>> -> memref<1x64x128xf32, #tpu.memory_space<vmem>>
        %dma_start3A_181 = tpu.memref_squeeze %dma_start3A_180 : memref<1x64x128xf32, #tpu.memory_space<vmem>> -> memref<64x128xf32, #tpu.memory_space<vmem>>
        tpu.enqueue_dma source(%dma_start3A_181 : memref<64x128xf32, #tpu.memory_space<vmem>>) target(%dma_start3A_177 : memref<64x128xf32, #tpu.memory_space<hbm>>) target_semaphore(%arg15 : memref<!tpu.dma_semaphore, #tpu.memory_space<semaphore_mem>>)
        %add3A_182 = arith.constant 4 : i32
        %add3A_183 = arith.addi %add3A_139, %add3A_182 : i32
        %lt3A_184 = arith.constant 50 : i32
        %lt3A_185 = arith.cmpi slt, %add3A_183, %lt3A_184 : i32
        %convert_element_type3A_186 = arith.extui %lt3A_185 : i1 to i32
        %cond3A_187 = arith.constant 0 : i32
        %cond3A_188 = arith.cmpi ne, %convert_element_type3A_186, %cond3A_187 : i32
        scf.if %cond3A_188 {
          %add3A_189 = arith.constant 4 : i32
          %add3A_190 = arith.addi %add3A_139, %add3A_189 : i32
          %dma_start3A_191 = arith.constant 3 : i32
          %dma_start3A_192 = arith.constant 0 : i32
          %dma_start3A_193 = arith.constant 0 : i32
          %dma_start3A_194 = tpu.memref_slice %arg6[%dma_start3A_191, %dma_start3A_192, %dma_start3A_193] : memref<4x128x128xf32, #tpu.memory_space<vmem>> -> memref<1x128x128xf32, #tpu.memory_space<vmem>>
          %dma_start3A_195 = tpu.memref_squeeze %dma_start3A_194 : memref<1x128x128xf32, #tpu.memory_space<vmem>> -> memref<128x128xf32, #tpu.memory_space<vmem>>
          %dma_start3A_196 = arith.constant 0 : i32
          %dma_start3A_197 = tpu.memref_slice %arg5[%add3A_190, %dma_start3A_196] : memref<50x128xi32, #tpu.memory_space<vmem>> -> memref<1x128xi32, #tpu.memory_space<vmem>>
          %dma_start3A_198 = tpu.memref_squeeze %dma_start3A_197 : memref<1x128xi32, #tpu.memory_space<vmem>> -> memref<128xi32, #tpu.memory_space<vmem>>
          %dma_start3A_199 = arith.constant 0 : i32
          %dma_start3A_200 = arith.constant 0 : i32
          %dma_start3A_201 = tpu.memref_slice %arg3[%dma_start3A_199, %dma_start3A_200] : memref<1000000x128xf32, #tpu.memory_space<hbm>> -> memref<1000000x128xf32, #tpu.memory_space<hbm>>
          tpu.enqueue_indirect_dma source(%dma_start3A_201 : memref<1000000x128xf32, #tpu.memory_space<hbm>>) target(%dma_start3A_195 : memref<128x128xf32, #tpu.memory_space<vmem>>) offsets(%dma_start3A_198 : memref<128xi32, #tpu.memory_space<vmem>>) semaphore(%arg11 : memref<!tpu.dma_semaphore, #tpu.memory_space<semaphore_mem>>)
        } else {
        }
      } else {
      }
    }
    %scan3A_53 = arith.constant 13 : i32
    %dma_wait3A = arith.constant 2 : i32
    %dma_wait3A_54 = arith.constant 46 : i32
    %dma_wait3A_55 = arith.constant 0 : i32
    %dma_wait3A_56 = arith.constant 0 : i32
    %dma_wait3A_57 = tpu.memref_slice %arg7[%dma_wait3A, %dma_wait3A_55, %dma_wait3A_56] : memref<4x64x128xf32, #tpu.memory_space<vmem>> -> memref<1x64x128xf32, #tpu.memory_space<vmem>>
    %dma_wait3A_58 = tpu.memref_squeeze %dma_wait3A_57 : memref<1x64x128xf32, #tpu.memory_space<vmem>> -> memref<64x128xf32, #tpu.memory_space<vmem>>
    %dma_wait3A_59 = arith.constant 0 : i32
    %dma_wait3A_60 = tpu.memref_slice %arg4[%dma_wait3A_54, %dma_wait3A_59, %mul3A_2] : memref<50x64x4096xf32, #tpu.memory_space<hbm>> -> memref<1x64x128xf32, #tpu.memory_space<hbm>>
    %dma_wait3A_61 = tpu.memref_squeeze %dma_wait3A_60 : memref<1x64x128xf32, #tpu.memory_space<hbm>> -> memref<64x128xf32, #tpu.memory_space<hbm>>
    %dma_wait3A_62 = arith.constant 0 : i32
    %dma_wait3A_63 = tpu.memref_slice %arg4[%dma_wait3A_54, %dma_wait3A_62, %mul3A_2] : memref<50x64x4096xf32, #tpu.memory_space<hbm>> -> memref<1x64x128xf32, #tpu.memory_space<hbm>>
    %dma_wait3A_64 = tpu.memref_squeeze %dma_wait3A_63 : memref<1x64x128xf32, #tpu.memory_space<hbm>> -> memref<64x128xf32, #tpu.memory_space<hbm>>
    %dma_wait3A_65 = arith.constant 0 : i32
    %dma_wait3A_66 = arith.constant 0 : i32
    %dma_wait3A_67 = tpu.memref_slice %arg7[%dma_wait3A, %dma_wait3A_65, %dma_wait3A_66] : memref<4x64x128xf32, #tpu.memory_space<vmem>> -> memref<1x64x128xf32, #tpu.memory_space<vmem>>
    %dma_wait3A_68 = tpu.memref_squeeze %dma_wait3A_67 : memref<1x64x128xf32, #tpu.memory_space<vmem>> -> memref<64x128xf32, #tpu.memory_space<vmem>>
    tpu.wait_dma2 semaphore(%arg14 : memref<!tpu.dma_semaphore, #tpu.memory_space<semaphore_mem>>) src(%dma_wait3A_68 : memref<64x128xf32, #tpu.memory_space<vmem>>) dst(%dma_wait3A_64 : memref<64x128xf32, #tpu.memory_space<hbm>>)
    %dma_wait3A_69 = arith.constant 3 : i32
    %dma_wait3A_70 = arith.constant 47 : i32
    %dma_wait3A_71 = arith.constant 0 : i32
    %dma_wait3A_72 = arith.constant 0 : i32
    %dma_wait3A_73 = tpu.memref_slice %arg7[%dma_wait3A_69, %dma_wait3A_71, %dma_wait3A_72] : memref<4x64x128xf32, #tpu.memory_space<vmem>> -> memref<1x64x128xf32, #tpu.memory_space<vmem>>
    %dma_wait3A_74 = tpu.memref_squeeze %dma_wait3A_73 : memref<1x64x128xf32, #tpu.memory_space<vmem>> -> memref<64x128xf32, #tpu.memory_space<vmem>>
    %dma_wait3A_75 = arith.constant 0 : i32
    %dma_wait3A_76 = tpu.memref_slice %arg4[%dma_wait3A_70, %dma_wait3A_75, %mul3A_2] : memref<50x64x4096xf32, #tpu.memory_space<hbm>> -> memref<1x64x128xf32, #tpu.memory_space<hbm>>
    %dma_wait3A_77 = tpu.memref_squeeze %dma_wait3A_76 : memref<1x64x128xf32, #tpu.memory_space<hbm>> -> memref<64x128xf32, #tpu.memory_space<hbm>>
    %dma_wait3A_78 = arith.constant 0 : i32
    %dma_wait3A_79 = tpu.memref_slice %arg4[%dma_wait3A_70, %dma_wait3A_78, %mul3A_2] : memref<50x64x4096xf32, #tpu.memory_space<hbm>> -> memref<1x64x128xf32, #tpu.memory_space<hbm>>
    %dma_wait3A_80 = tpu.memref_squeeze %dma_wait3A_79 : memref<1x64x128xf32, #tpu.memory_space<hbm>> -> memref<64x128xf32, #tpu.memory_space<hbm>>
    %dma_wait3A_81 = arith.constant 0 : i32
    %dma_wait3A_82 = arith.constant 0 : i32
    %dma_wait3A_83 = tpu.memref_slice %arg7[%dma_wait3A_69, %dma_wait3A_81, %dma_wait3A_82] : memref<4x64x128xf32, #tpu.memory_space<vmem>> -> memref<1x64x128xf32, #tpu.memory_space<vmem>>
    %dma_wait3A_84 = tpu.memref_squeeze %dma_wait3A_83 : memref<1x64x128xf32, #tpu.memory_space<vmem>> -> memref<64x128xf32, #tpu.memory_space<vmem>>
    tpu.wait_dma2 semaphore(%arg15 : memref<!tpu.dma_semaphore, #tpu.memory_space<semaphore_mem>>) src(%dma_wait3A_84 : memref<64x128xf32, #tpu.memory_space<vmem>>) dst(%dma_wait3A_80 : memref<64x128xf32, #tpu.memory_space<hbm>>)
    %dma_wait3A_85 = arith.constant 0 : i32
    %dma_wait3A_86 = arith.constant 48 : i32
    %dma_wait3A_87 = arith.constant 0 : i32
    %dma_wait3A_88 = arith.constant 0 : i32
    %dma_wait3A_89 = tpu.memref_slice %arg7[%dma_wait3A_85, %dma_wait3A_87, %dma_wait3A_88] : memref<4x64x128xf32, #tpu.memory_space<vmem>> -> memref<1x64x128xf32, #tpu.memory_space<vmem>>
    %dma_wait3A_90 = tpu.memref_squeeze %dma_wait3A_89 : memref<1x64x128xf32, #tpu.memory_space<vmem>> -> memref<64x128xf32, #tpu.memory_space<vmem>>
    %dma_wait3A_91 = arith.constant 0 : i32
    %dma_wait3A_92 = tpu.memref_slice %arg4[%dma_wait3A_86, %dma_wait3A_91, %mul3A_2] : memref<50x64x4096xf32, #tpu.memory_space<hbm>> -> memref<1x64x128xf32, #tpu.memory_space<hbm>>
    %dma_wait3A_93 = tpu.memref_squeeze %dma_wait3A_92 : memref<1x64x128xf32, #tpu.memory_space<hbm>> -> memref<64x128xf32, #tpu.memory_space<hbm>>
    %dma_wait3A_94 = arith.constant 0 : i32
    %dma_wait3A_95 = tpu.memref_slice %arg4[%dma_wait3A_86, %dma_wait3A_94, %mul3A_2] : memref<50x64x4096xf32, #tpu.memory_space<hbm>> -> memref<1x64x128xf32, #tpu.memory_space<hbm>>
    %dma_wait3A_96 = tpu.memref_squeeze %dma_wait3A_95 : memref<1x64x128xf32, #tpu.memory_space<hbm>> -> memref<64x128xf32, #tpu.memory_space<hbm>>
    %dma_wait3A_97 = arith.constant 0 : i32
    %dma_wait3A_98 = arith.constant 0 : i32
    %dma_wait3A_99 = tpu.memref_slice %arg7[%dma_wait3A_85, %dma_wait3A_97, %dma_wait3A_98] : memref<4x64x128xf32, #tpu.memory_space<vmem>> -> memref<1x64x128xf32, #tpu.memory_space<vmem>>
    %dma_wait3A_100 = tpu.memref_squeeze %dma_wait3A_99 : memref<1x64x128xf32, #tpu.memory_space<vmem>> -> memref<64x128xf32, #tpu.memory_space<vmem>>
    tpu.wait_dma2 semaphore(%arg12 : memref<!tpu.dma_semaphore, #tpu.memory_space<semaphore_mem>>) src(%dma_wait3A_100 : memref<64x128xf32, #tpu.memory_space<vmem>>) dst(%dma_wait3A_96 : memref<64x128xf32, #tpu.memory_space<hbm>>)
    %dma_wait3A_101 = arith.constant 1 : i32
    %dma_wait3A_102 = arith.constant 49 : i32
    %dma_wait3A_103 = arith.constant 0 : i32
    %dma_wait3A_104 = arith.constant 0 : i32
    %dma_wait3A_105 = tpu.memref_slice %arg7[%dma_wait3A_101, %dma_wait3A_103, %dma_wait3A_104] : memref<4x64x128xf32, #tpu.memory_space<vmem>> -> memref<1x64x128xf32, #tpu.memory_space<vmem>>
    %dma_wait3A_106 = tpu.memref_squeeze %dma_wait3A_105 : memref<1x64x128xf32, #tpu.memory_space<vmem>> -> memref<64x128xf32, #tpu.memory_space<vmem>>
    %dma_wait3A_107 = arith.constant 0 : i32
    %dma_wait3A_108 = tpu.memref_slice %arg4[%dma_wait3A_102, %dma_wait3A_107, %mul3A_2] : memref<50x64x4096xf32, #tpu.memory_space<hbm>> -> memref<1x64x128xf32, #tpu.memory_space<hbm>>
    %dma_wait3A_109 = tpu.memref_squeeze %dma_wait3A_108 : memref<1x64x128xf32, #tpu.memory_space<hbm>> -> memref<64x128xf32, #tpu.memory_space<hbm>>
    %dma_wait3A_110 = arith.constant 0 : i32
    %dma_wait3A_111 = tpu.memref_slice %arg4[%dma_wait3A_102, %dma_wait3A_110, %mul3A_2] : memref<50x64x4096xf32, #tpu.memory_space<hbm>> -> memref<1x64x128xf32, #tpu.memory_space<hbm>>
    %dma_wait3A_112 = tpu.memref_squeeze %dma_wait3A_111 : memref<1x64x128xf32, #tpu.memory_space<hbm>> -> memref<64x128xf32, #tpu.memory_space<hbm>>
    %dma_wait3A_113 = arith.constant 0 : i32
    %dma_wait3A_114 = arith.constant 0 : i32
    %dma_wait3A_115 = tpu.memref_slice %arg7[%dma_wait3A_101, %dma_wait3A_113, %dma_wait3A_114] : memref<4x64x128xf32, #tpu.memory_space<vmem>> -> memref<1x64x128xf32, #tpu.memory_space<vmem>>
    %dma_wait3A_116 = tpu.memref_squeeze %dma_wait3A_115 : memref<1x64x128xf32, #tpu.memory_space<vmem>> -> memref<64x128xf32, #tpu.memory_space<vmem>>
    tpu.wait_dma2 semaphore(%arg13 : memref<!tpu.dma_semaphore, #tpu.memory_space<semaphore_mem>>) src(%dma_wait3A_116 : memref<64x128xf32, #tpu.memory_space<vmem>>) dst(%dma_wait3A_112 : memref<64x128xf32, #tpu.memory_space<hbm>>)
    return
  }
}

module attributes {stable_mosaic.version = 14 : i64} {
  func.func @_smooth_body(%arg0: memref<24x24xf32, #tpu.memory_space<vmem>>, %arg1: memref<24x64xf32, #tpu.memory_space<vmem>>, %arg2: memref<24x64xf32, #tpu.memory_space<vmem>>) attributes {dimension_semantics = [], scalar_prefetch = 0 : i64, scratch_operands = 0 : i64, tpu.core_type = #tpu.core_type<tc>} {
    %get3A = arith.constant 0 : index
    %get3A_0 = arith.constant 0 : index
    %get3A_1 = vector.load %arg0[%get3A, %get3A_0] : memref<24x24xf32, #tpu.memory_space<vmem>>, vector<24x24xf32>
    %get3A_2 = arith.constant 0 : index
    %get3A_3 = arith.constant 0 : index
    %get3A_4 = vector.load %arg1[%get3A_2, %get3A_3] : memref<24x64xf32, #tpu.memory_space<vmem>>, vector<24x64xf32>
    %dot_general3A = arith.constant dense<0.000000e+00> : vector<24x64xf32>
    %dot_general3A_5 = tpu.matmul %get3A_1, %get3A_4, %dot_general3A {dimension_numbers = #tpu.dot_dimension_numbers<[1], [0], [0], [1], [0, 0, 1, 1], [], []>, transpose_lhs_hint = false} : vector<24x24xf32>, vector<24x64xf32>, vector<24x64xf32> -> vector<24x64xf32>
    %swap3A = arith.constant 0 : index
    %swap3A_6 = arith.constant 0 : index
    %swap3A_7 = vector.load %arg2[%swap3A, %swap3A_6] : memref<24x64xf32, #tpu.memory_space<vmem>>, vector<24x64xf32>
    tpu.vector_store %arg2[%swap3A, %swap3A_6], %dot_general3A_5 {strides = array<i32>} : memref<24x64xf32, #tpu.memory_space<vmem>>, vector<24x64xf32>,
    return
  }
}

</mosaic_0001>

<sc_bundles>
// kernel: kernel.4.cloned.1.call-start
scs
__scs_entry_jumppad:
0x0: {  	(pc) =	sbr.rel $0x88, $3  }
0x1: {  	(tag) =	ssettag $0x0;
	lr =	simm.s32 $0x1  }
0x2: {  	[smem:$0x3F9D] =	sst lr;
	_ =	strace $0xD0000000  }
0x3: {  	_ = 	snop  }
0x4: {  	_ = 	snop  }
0x5: {  	_ = 	snop  }
0x6: {  	_ = 	snop  }
0x7: {  	_ = 	snop  }
__scs_overlays_trampoline_lowered:
0x8: {  	[smem:$0x3FAC] =	sst s0  }
0x9: {  	[smem:$0x3FAD] =	sst s1  }
0xa: {  	[smem:$0x3FAE] =	sst s2  }
0xb: {  	[smem:$0x3FAF] =	sst s3  }
0xc: {  	[smem:$0x3FB0] =	sst s4  }
0xd: {  	[smem:$0x3FB1] =	sst s5  }
0xe: {  	[smem:$0x3FB2] =	sst s6  }
0xf: {  	[smem:$0x3FB3] =	sst s7  }
0x10: {  	[smem:$0x3FB4] =	sst s8  }
0x11: {  	[smem:$0x3FB5] =	sst s9;
	s0 =	simm.s32 @!p0 $0x0  }
0x12: {  	s1 =	sld [smem:$0x3F9B];
	s0 =	simm.s32 @p0 $0x1  }
0x13: {  	[smem:$0x3FB6] =	sst s0;
	s0 =	simm.s32 @!p1 $0x0  }
0x14: {  	s2 =	sld [smem:$0x3F9A];
	s0 =	simm.s32 @p1 $0x1  }
0x15: {  	[smem:$0x3FB7] =	sst s0;
	s0 =	simm.s32 @!p2 $0x0  }
0x16: {  	s3 =	sld [smem:$0x3FDB];
	s0 =	simm.s32 @p2 $0x1  }
0x17: {  	s4 =	simm.s32 $0x1BF5;
	[smem:$0x3FB9] =	sst s0  }
0x18: {  	s0 =	sld [smem:$0x3F9C];
	_ =	swait.ge [sflag:s4], $0x0  }
0x19: {  	s7 =	sld [smem:$0x3F9D]  }
0x1a: {  	s8 =	sadd.s32 $0xFFFFE003, lr  }
0x1b: {  	s9 =	sadd.s32 $0xFFFFFEF7, lr;
	s5 =	simm.s32 $0xFFFFFFFF;
	p2 =	slt.u32 s8, $0xFFFFF086  }
0x1c: {  	p1 =	slt.u32 s9, $0xF7A;
	s5 =	simm.s32 @!p2 $0x0  }
0x1d: {  	s5 =	simm.s32 @p1 $0x1;
	p0 =	seq.s32 s7, s2  }
0x1e: {  	s7 =	smul.u32 @!p0 $0xF7A, s2;
	p2 =	seq.s32 @!p0 s5, $0x0  }
0x1f: {  	s9 =	smul.u32 $0xF7A, s1;
	s8 =	simm.s32 @!p0 $0x1BF5;
	p2 =	por !p2, p0  }
0x20: {  	[sflag:s8] =	ssyncset.s32 @!p0 $0xFFFFF086;
	s6 =	sadd.s32 @!p0 s3, s7;
	s7 =	simm.s32 @!p0 $0x108  }
0x21: {  	s3 =	sadd.s32 s3, s9;
	s6 =	sadd.s32 @!p0 $0x88, s6;
	s7 =	simm.s32 @p2 $0x1082  }
0x22: {  	[simem:s7], [sflag:s8] =	dma.local @!p0 [hbm:s6], $0xF7A  }
0x23: {  	s9 =	sor.u32 $0xD0000000, s2;
	s6 =	simm.s32 $0x108;
	_ =	swait.ge @!p0 [sflag:s8], $0x0  }
0x24: {  	s3 =	sadd.s32 $0x88, s3;
	s6 =	simm.s32 @!p1 $0x1082;
	[sflag:s4] =	ssyncset.s32 $0xFFFFF086  }
0x25: {  	[simem:s6], [sflag:s4] =	dma.local [hbm:s3], $0xF7A  }
0x26: {  	[smem:$0x3F9D] =	sst s1;
	(tag) =	ssettag s2;
	_ =	strace s9  }
0x27: {  	s1 =	sld [smem:$0x3FAD]  }
0x28: {  	s2 =	sld [smem:$0x3FAE]  }
0x29: {  	s4 =	sld [smem:$0x3FB0]  }
0x2a: {  	p0 =	seq.s32 s5, $0x0;
	s5 =	sld [smem:$0x3FB1]  }
0x2b: {  	s6 =	sld [smem:$0x3FB2]  }
0x2c: {  	s7 =	sld [smem:$0x3FB3]  }
0x2d: {  	s3 =	simm.s32 $0x108;
	s8 =	sld [smem:$0x3FB4]  }
0x2e: {  	s3 =	simm.s32 @!p0 $0x1082;
	s9 =	sld [smem:$0x3FB5]  }
0x2f: {  	lr =	sadd.s32 s0, s3;
	s0 =	sld [smem:$0x3FAC]  }
0x30: {  	s3 =	sld [smem:$0x3FAF]  }
0x31: {  	[smem:$0x3FB8] =	sst s10  }
0x32: {  	s10 =	sld [smem:$0x3FB6];
	_ =	sdelay $0x3  }
0x33: {  	p0 =	seq.s32 s10, $0x1;
	s10 =	sld [smem:$0x3FB8];
	_ =	sdelay $0x3  }
0x34: {  	[smem:$0x3FB8] =	sst s10  }
0x35: {  	s10 =	sld [smem:$0x3FB7];
	_ =	sdelay $0x3  }
0x36: {  	p1 =	seq.s32 s10, $0x1;
	s10 =	sld [smem:$0x3FB8];
	_ =	sdelay $0x3  }
0x37: {  	[smem:$0x3FB8] =	sst s10  }
0x38: {  	s10 =	sld [smem:$0x3FB9]  }
0x39: {  	_ = 	snop;
	(pc) =	sbr.ind lr, $3  }
0x3a: {  	_ = 	snop  }
0x3b: {  	_ = 	snop  }
0x3c: {  	p2 =	seq.s32 s10, $0x1;
	s10 =	sld [smem:$0x3FB8]  }
0x3d: {  	_ =	shalt  }
0x3e: {  	_ =	shalt  }
0x3f: {  	_ =	shalt  }
0x40: {  	_ =	shalt  }
0x41: {  	_ =	shalt  }
0x42: {  	_ =	shalt  }
0x43: {  	_ =	shalt  }
0x44: {  	_ =	shalt  }
0x45: {  	_ =	shalt  }
0x46: {  	_ =	shalt  }
0x47: {  	_ =	shalt  }
0x48: {  	_ =	shalt  }
0x49: {  	_ =	shalt  }
0x4a: {  	_ =	shalt  }
0x4b: {  	_ =	shalt  }
0x4c: {  	_ =	shalt  }
0x4d: {  	_ =	shalt  }
0x4e: {  	_ =	shalt  }
0x4f: {  	_ =	shalt  }
0x50: {  	_ =	shalt  }
0x51: {  	_ =	shalt  }
0x52: {  	_ =	shalt  }
0x53: {  	_ =	shalt  }
0x54: {  	_ =	shalt  }
0x55: {  	_ =	shalt  }
0x56: {  	_ =	shalt  }
0x57: {  	_ =	shalt  }
0x58: {  	_ =	shalt  }
0x59: {  	_ =	shalt  }
0x5a: {  	_ =	shalt  }
0x5b: {  	_ =	shalt  }
0x5c: {  	_ =	shalt  }
0x5d: {  	_ =	shalt  }
0x5e: {  	_ =	shalt  }
0x5f: {  	_ =	shalt  }
0x60: {  	_ =	shalt  }
0x61: {  	_ =	shalt  }
0x62: {  	_ =	shalt  }
0x63: {  	_ =	shalt  }
0x64: {  	_ =	shalt  }
0x65: {  	_ =	shalt  }
0x66: {  	_ =	shalt  }
0x67: {  	_ =	shalt  }
0x68: {  	_ =	shalt  }
0x69: {  	_ =	shalt  }
0x6a: {  	_ =	shalt  }
0x6b: {  	_ =	shalt  }
0x6c: {  	_ =	shalt  }
0x6d: {  	_ =	shalt  }
0x6e: {  	_ =	shalt  }
0x6f: {  	_ =	shalt  }
0x70: {  	_ =	shalt  }
0x71: {  	_ =	shalt  }
0x72: {  	_ =	shalt  }
0x73: {  	_ =	shalt  }
0x74: {  	_ =	shalt  }
0x75: {  	_ =	shalt  }
0x76: {  	_ =	shalt  }
0x77: {  	_ =	shalt  }
0x78: {  	_ =	shalt  }
0x79: {  	_ =	shalt  }
0x7a: {  	_ =	shalt  }
0x7b: {  	_ =	shalt  }
0x7c: {  	_ =	shalt  }
0x7d: {  	_ =	shalt  }
0x7e: {  	_ =	shalt  }
0x7f: {  	_ =	shalt  }
0x80: {  	_ =	shalt  }
0x81: {  	_ =	shalt  }
0x82: {  	_ =	shalt  }
0x83: {  	_ =	shalt  }
0x84: {  	_ =	shalt  }
0x85: {  	_ =	shalt  }
0x86: {  	_ =	shalt  }
0x87: {  	_ =	shalt  }
.Lfunc_end0:
.L_simem_size_0:
called_computation_lowered:
.L_overlay_start_0:
0x88: {  	s2 =	sld [smem:$0x3FD9]  }
0x89: {  	s3 =	sld [smem:$0x3FFE];
	_ =	sdelay $0x1  }
0x8a: {  	s1 =	srdreg.scid  }
0x8b: {  	s0 =	sand.u32 $0x1, s1  }
0x8c: {  	s14 =	sshll.u32 s0, $0xA;
	s2 =	sadd.s32 s3, s2  }
0x8d: {  	s2 =	sadd.s32 s2, s14  }
0x8e: {  	[smem:$0x3FC4] =	sst s2  }
0x8f: {  	_ = 	snop  }
0x90: {  	s2 =	sld [smem:$0x3FD0];
	_ =	sdelay $0x2  }
0x91: {  	s4 =	simm.s32 $0xA;
	s5 =	simm.s32 $0x10;
	s15 =	sld [smem:$0x3FC9]  }
0x92: {  	[smem:s5], [sflag:s4] =	dma.local [hbm:s2], $0x1  }
0x93: {  	_ =	swait.eq [sflag:s4], $0x1  }
0x94: {  	[sflag:s4] =	ssyncset.done $0x0  }
0x95: {  	[sflag:s4] =	ssyncadd.s32 $0xFFFFFFFF  }
0x96: {  	s16 =	sld [smem:$0x10];
	(tm) =	ssettm $0x1  }
0x97: {  	s17 =	sld [smem:$0x3FFB];
	_ =	sdelay $0x3  }
0x98: {  	_ =	strace s17  }
0x99: {  	s4 =	sld [smem:$0x3FFC];
	_ =	sdelay $0x3  }
0x9a: {  	_ =	strace s4  }
0x9b: {  	s4 =	sld [smem:$0x3FFD];
	_ =	sdelay $0x3  }
0x9c: {  	_ =	strace s4  }
0x9d: {  	_ =	strace $0x8FFFFFFF  }
0x9e: {  	s18 =	sld [smem:$0x3FDB];
	_ =	sdelay $0x1  }
0x9f: {  	s19 =	simm.s32 $_scs_section_size  }
0xa0: {  	s6 =	simm.s32 $_size__tile_overlayer_lowered;
	s7 =	simm.s32 $_tile_overlayer_lowered  }
0xa1: {  	s22 =	simm.s32 $0x1BFF;
	s21 =	sshll.u32 s7, $0x1;
	s4 =	sadd.s32 s19, s18  }
0xa2: {  	s8 =	simm.s32 $0x0;
	s20 =	sshll.u32 s6, $0x1;
	s6 =	sadd.s32 s21, s4  }
0xa3: {  	[timem:s8], [sflag:s22] =	dma.local [hbm:s6], s20  }
0xa4: {  	_ =	swait.ge [sflag:s22], s20  }
0xa5: {  	s5 =	ssub.s32 $0x0, s20;
	[sflag:s22] =	ssyncset.done $0x0  }
0xa6: {  	[sflag:s22] =	ssyncadd.s32 s5;
	_ =	sdelay $0x1  }
0xa7: {  	s23 =	simm.s32 $0x1B8B  }
0xa8: {  	_ =	swait.ge [sflag:s23], $0x1  }
0xa9: {  	[sflag:s23] =	ssyncset.done $0x0  }
0xaa: {  	s25 =	simm.s32 $0x1B8E;
	s24 =	sld [smem:$0x3FFE];
	[sflag:s23] =	ssyncadd.s32 $0xFFFFFFFF  }
0xab: {  	s26 =	simm.s32 $execute0_lowered;
	[smem:$0x3FD2] =	sst s25  }
0xac: {  	s6 =	sshll.u32 s26, $0x1;
	_ =	strace $0x80000046;
	[dreg:$0x1] =	wrdreg $0xFFFFFFFF  }
0xad: {  	s28 =	simm.s32 $_size_execute0_lowered;
	s4 =	sadd.s32 s4, s6;
	[dreg:$0x0] =	wrdreg $0x0  }
0xae: {  	s6 =	sshll.u32 s28, $0x1;
	[dreg:$0x2] =	wrdreg s4  }
0xaf: {  	[dreg:$0x3] =	wrdreg s6  }
0xb0: {  	[dreg:$0x4] =	wrdreg $0xC0  }
0xb1: {  	_ =	task [dreg:s8], $0x5FFFF  }
0xb2: {  	[dreg:$0x1] =	wrdreg $0xFFFFFFFF  }
0xb3: {  	[dreg:$0x0] =	wrdreg $0x60  }
0xb4: {  	[dreg:$0x2] =	wrdreg s15  }
0xb5: {  	[dreg:$0x3] =	wrdreg s24  }
0xb6: {  	[dreg:$0x4] =	wrdreg s16  }
0xb7: {  	[dreg:$0x5] =	wrdreg $0x9  }
0xb8: {  	_ =	task.clear_ibuf [dreg:s8], $0x6FFFF;
	_ =	strace $0x90000046  }
0xb9: {  	s29 =	simm.s32 $0x9;
	_ =	strace $0x80000048  }
0xba: {  	_ =	swait.ge [sflag:s29], $0x1  }
0xbb: {  	[sflag:s29] =	ssyncadd.s32 $0xFFFFFFFF  }
0xbc: {  	_ =	strace $0x90000048  }
0xbd: {  	_ =	sfence  }
0xbe: {  	s30 =	sld [smem:$0x0];
	_ =	sdelay $0x2  }
0xbf: {  	s31 =	sshll.u32 s1, $0xD;
	s1 =	sshrl.u32 s1, $0x2  }
0xc0: {  	s3 =	sand.u32 $0x4000, s31;
	s1 =	sadd.s32 s1, s30  }
0xc1: {  	s0 =	sor.u32 s3, s0;
	s1 =	sshll.u32 s1, $0x11  }
0xc2: {  	s0 =	sor.u32 s1, s0  }
0xc3: {  	s0 =	sadd.s32 $0x8F2B, s0  }
0xc4: {  	[sflag:s0] =	ssyncadd.remote.s32 $0x1  }
0xc5: {  	_ =	sfence.sel $0xFFFF  }
0xc6: {  	[dreg:$0x0] =	wrdreg $0xFFFFFFFF;
	(pc) =	sbr.abs _section_cstart, $3  }
0xc7: {  	[dreg:$0x1] =	wrdreg $0xFFFFFFFF  }
0xc8: {  	_ =	task.clear_ibuf [dreg:s8], $0x2FFFF;
	_ =	strace $0x9FFFFFFF  }
0xc9: {  	(tm) =	ssettm $0x7FFFFFFF  }
tec
execute0_lowered:
.L_overlay_start_1:
0x0: {  	(tag) =	ssettag $0x1  }
0x1: {  	s0 =	rddreg [dreg:$0x0]  }
0x2: {  	s1 =	rddreg [dreg:$0x1]  }
0x3: {  	s2 =	rddreg [dreg:$0x2];
	s3 =	srdreg.scid  }
0x4: {  	s4 =	stileid.u32;
	s6 =	simm.s32 $0x0;
	s10 =	simm.s32 $0x400  }
0x5: {  	s11 =	simm.s32 $0x8000;
	s14 =	simm.s32 $0x80;
	s15 =	simm.s32 $0x1C00  }
0x6: {  	s16 =	simm.s32 $0x5C00;
	s18 =	simm.s32 $0x9C00;
	s20 =	simm.s32 $0xDC00  }
0x7: {  	s21 =	simm.s32 $0x1;
	s22 =	simm.s32 $0x11C00;
	s23 =	simm.s32 $0x2  }
0x8: {  	s24 =	simm.s32 $0x6;
	s29 =	simm.s32 $0x5;
	s30 =	simm.s32 $0x3  }
0x9: {  	s31 =	simm.s32 $0x15C00;
	s12 =	simm.s32 $0x0;
	s3 =	sand.u32 $0x1, s3  }
0xa: {  	s4 =	sshll.u32 s4, $0xB;
	[smem:$0x7FF] =	sst s6;
	s5 =	sshll.u32 s3, $0xA  }
0xb: {  	v0 =	vlaneseq.u32;
	s8 =	sadd.s32 $0x8000, s2;
	s3 =	ssub.s32 $0x2, s3;
	s4 =	sor.u32 s5, s4  }
.Ltmp0:
0xc: {  	v0 =	vmul.u32 $0x80, v0;
	s25 =	sshrl.u32 s3, $0x1;
	s7 =	sshrl.u32 s4, $0x3;
	(pc) =	sbr.rel .LBB2_1-.Ltmp0, $4  }
0xd: {  	_ =	strace $0x80000047;
	s26 =	ssub.s32 s3, s25;
	s0 =	sadd.s32 s0, s7  }
0xe: {  	s5 =	sadd.s32 $0xF42E00, s1;
	v1 =	vor.u32 $0x800, v0;
	s28 =	smax.u32 s26, $0x1;
	[dreg:$0x4] =	wrdreg s0  }
0xf: {  	v2 =	vor.u32 $0x1000, v0;
	v3 =	vor.u32 $0x1800, v0;
	v4 =	vor.u32 $0x2000, v0;
	s1 =	simm.s32 $0x17C00;
	s0 =	sadd.s32 $0x6000, s0;
	[dreg:$0x6] =	wrdreg s28  }
0x10: {  	v5 =	vor.u32 $0x2800, v0;
	v6 =	vor.u32 $0x3000, v0;
	v7 =	vor.u32 $0x3800, v0;
	s25 =	simm.s32 $0x13C00;
	[dreg:$0x5] =	wrdreg s0;
	s0 =	simm.s32 $0x4  }
.LBB2_20:
0x11: {  	s3 =	simm.s32 $0x7  }
0x12: {  	_ =	swait.ge [sflag:s3], $0x2000  }
0x13: {  	[sflag:s3] =	ssyncset.done $0x0  }
0x14: {  	s26 =	simm.s32 $0x8;
	[sflag:s3] =	ssyncadd.s32 $0xFFFFE000  }
0x15: {  	_ =	swait.ge [sflag:s26], $0x2000  }
0x16: {  	[sflag:s26] =	ssyncset.done $0x0  }
0x17: {  	[sflag:s26] =	ssyncadd.s32 $0xFFFFE000  }
0x18: {  	_ =	swait.ge [sflag:s29], $0x2000  }
0x19: {  	[sflag:s29] =	ssyncset.done $0x0  }
0x1a: {  	[sflag:s29] =	ssyncadd.s32 $0xFFFFE000  }
0x1b: {  	_ =	swait.ge [sflag:s24], $0x2000  }
0x1c: {  	s12 =	sadd.s32 $0x1, s12;
	s28 =	rddreg [dreg:$0x6]  }
0x1d: {  	p0 =	sne.s32 s12, s28  }
.Ltmp1:
0x1e: {  	_ = 	snop;
	(pc) =	sbr.rel @!p0 .LBB2_21-.Ltmp1, $3  }
0x1f: {  	_ =	sdelay $0x1  }
0x20: {  	[sflag:s24] =	ssyncset.done $0x0  }
0x21: {  	[sflag:s24] =	ssyncadd.s32 $0xFFFFE000  }
.LBB2_1:
0x22: {  	s3 =	simm.s32 $0x0;
	s6 =	rddreg [dreg:$0x4]  }
0x23: {  	[tilespmem:s3], [sflag:$0x9] =	stream.strided.gather [hbm4b:s6+s10], $0x1800, s11, s10, $0x38;
	[tilespmem:$0x19C00] =	vst v63  }
0x24: {  	s17 =	rddreg [dreg:$0x5];
	s7 =	simm.s32 $0x1800;
	s19 =	simm.s32 $0x9  }
0x25: {  	[tilespmem:s7], [sflag:$0x9] =	stream.linear.gather [hbm4b:s17+s3], $0x100, $0x38;
	[tilespmem:$0x19C00] =	vst v63  }
0x26: {  	_ =	swait.ge [sflag:s19], $0x1900  }
0x27: {  	[sflag:s19] =	ssyncset.done $0x0  }
0x28: {  	[sflag:s19] =	ssyncadd.s32 $0xFFFFE700  }
0x29: {  	[tilespmem:s15], [sflag:$0x1] =	stream.indirect.gather [hbm4b:s5+s14], $0x80, s3, s14, $0xb8;
	[tilespmem:$0x19C00] =	vst v63  }
0x2a: {  	_ = 	snop  }
0x2b: {  	[tilespmem:s16], [sflag:$0x2] =	stream.indirect.gather [hbm4b:s5+s14], $0x80, s14, s14, $0xb8;
	[tilespmem:$0x19C00] =	vst v63  }
.Ltmp2:
0x2c: {  	_ = 	snop;
	(pc) =	sbr.rel .LBB2_2-.Ltmp2, $4  }
0x2d: {  	s26 =	simm.s32 $0x100  }
0x2e: {  	[tilespmem:s18], [sflag:$0x3] =	stream.indirect.gather [hbm4b:s5+s14], $0x80, s26, s14, $0xb8;
	[tilespmem:$0x19C00] =	vst v63  }
0x2f: {  	s28 =	simm.s32 $0x180;
	s17 =	simm.s32 $0x0  }
0x30: {  	[tilespmem:s20], [sflag:$0x4] =	stream.indirect.gather [hbm4b:s5+s14], $0x80, s28, s14, $0xb8;
	[tilespmem:$0x19C00] =	vst v63  }
.LBB2_19:
0x31: {  	s17 =	sadd.s32 $0x1, s17  }
0x32: {  	p0 =	sne.s32 s17, $0xD  }
.Ltmp3:
0x33: {  	_ = 	snop;
	(pc) =	sbr.rel @!p0 .LBB2_20-.Ltmp3, $1  }
0x34: {  	_ =	sdelay $0x3  }
.LBB2_2:
0x35: {  	s3 =	simm.s32 $0x0  }
0x36: {  	v8 =	vmov s3  }
0x37: {  	v8 =	vand.u32 $0x7F, v8  }
0x38: {  	v10 =	vbroadcast v8, $0x0  }
0x39: {  	_ =	swait.ge [sflag:s21], $0x4000  }
0x3a: {  	p0 =	seq.s32 s17, $0x0;
	[sflag:s21] =	ssyncset.done $0x0;
	v8 =	vor.u32 v0, v10  }
0x3b: {  	s3 =	simm.s32 @!p0 $0x5;
	[sflag:s21] =	ssyncadd.s32 $0xFFFFC000;
	v9 =	vor.u32 v2, v10  }
0x3c: {  	_ =	swait.ge @!p0 [sflag:s3], $0x2000;
	v11 =	vor.u32 v3, v10  }
0x3d: {  	[sflag:s3] =	ssyncset.done @!p0 $0x0;
	v12 =	vor.u32 v1, v10  }
0x3e: {  	[sflag:s3] =	ssyncadd.s32 @!p0 $0xFFFFE000  }
0x3f: {  	v8 =	vld.idx.msk [tilespmem:v8+s15+$0x0], $0xffff  }
0x40: {  	v9 =	vld.idx.msk [tilespmem:v9+s15+$0x0], $0xffff  }
0x41: {  	v11 =	vld.idx.msk [tilespmem:v11+s15+$0x0], $0xffff  }
0x42: {  	v12 =	vld.idx.msk [tilespmem:v12+s15+$0x0], $0xffff  }
0x43: {  	s7 =	simm.s32 $0x11C40;
	v13 =	vor.u32 v4, v10  }
0x44: {  	v14 =	vor.u32 v7, v10;
	[tilespmem:s7+$0xFFFFFFC0] =	vst v8  }
0x45: {  	v15 =	vor.u32 v5, v10;
	[tilespmem:s7+$0xFFFFFFE0] =	vst v9  }
0x46: {  	[tilespmem:s7+$0xFFFFFFF0] =	vst v11  }
0x47: {  	[tilespmem:s7+$0xFFFFFFD0] =	vst v12;
	v11 =	vor.u32 v6, v10  }
0x48: {  	s28 =	simm.s32 $0x1;
	v8 =	vld.idx.msk [tilespmem:v13+s15+$0x0], $0xffff  }
0x49: {  	v12 =	vmov s28;
	v9 =	vld.idx.msk [tilespmem:v14+s15+$0x0], $0xffff  }
0x4a: {  	s19 =	sshll.u32 s17, $0x2;
	s6 =	simm.s32 $0x2;
	s3 =	simm.s32 $0x11C40;
	v12 =	vand.u32 $0x7F, v12;
	v10 =	vld.idx.msk [tilespmem:v15+s15+$0x0], $0xffff  }
.LBB2_3:
0x4b: {  	p1 =	sne.s32 s6, $0x3F  }
0x4c: {  	v12 =	vbroadcast v12, $0x0;
	v11 =	vld.idx.msk [tilespmem:v11+s15+$0x0], $0xffff;
	s7 =	sadd.s32 $0x80, s7;
	s9 =	smov.u32 s6;
	s6 =	sadd.s32 $0x1, s6  }
0x4d: {  	_ = 	snop  }
0x4e: {  	v13 =	vor.u32 v0, v12;
	v14 =	vor.u32 v1, v12;
	v15 =	vor.u32 v2, v12  }
0x4f: {  	v16 =	vor.u32 v3, v12;
	[tilespmem:s3+$0x0] =	vst v8  }
0x50: {  	[tilespmem:s3+$0x30] =	vst v9  }
0x51: {  	[tilespmem:s3+$0x10] =	vst v10  }
0x52: {  	[tilespmem:s3+$0x20] =	vst v11;
	s3 =	smov.u32 s7  }
0x53: {  	v8 =	vld.idx.msk [tilespmem:v13+s15+$0x0], $0xffff  }
0x54: {  	v9 =	vld.idx.msk [tilespmem:v15+s15+$0x0], $0xffff  }
0x55: {  	v10 =	vld.idx.msk [tilespmem:v16+s15+$0x0], $0xffff  }
0x56: {  	v13 =	vld.idx.msk [tilespmem:v14+s15+$0x0], $0xffff;
	_ =	sdelay $0x1  }
0x57: {  	v14 =	vor.u32 v4, v12  }
0x58: {  	v15 =	vor.u32 v7, v12;
	[tilespmem:s7+$0xFFFFFFC0] =	vst v8  }
0x59: {  	v11 =	vor.u32 v6, v12;
	v16 =	vor.u32 v5, v12;
	[tilespmem:s7+$0xFFFFFFE0] =	vst v9  }
.Ltmp4:
0x5a: {  	[tilespmem:s7+$0xFFFFFFF0] =	vst v10;
	(pc) =	sbr.rel @p1 .LBB2_3-.Ltmp4, $4  }
0x5b: {  	[tilespmem:s7+$0xFFFFFFD0] =	vst v13  }
0x5c: {  	v8 =	vld.idx.msk [tilespmem:v14+s15+$0x0], $0xffff  }
0x5d: {  	v10 =	vmov s9;
	v9 =	vld.idx.msk [tilespmem:v15+s15+$0x0], $0xffff  }
0x5e: {  	v12 =	vand.u32 $0x7F, v10;
	v10 =	vld.idx.msk [tilespmem:v16+s15+$0x0], $0xffff  }
0x5f: {  	_ =	sdelay $0x2  }
0x60: {  	v12 =	vbroadcast v12, $0x0  }
0x61: {  	v11 =	vld.idx.msk [tilespmem:v11+s15+$0x0], $0xffff  }
0x62: {  	v13 =	vor.u32 v0, v12  }
0x63: {  	v14 =	vor.u32 v2, v12;
	[tilespmem:s3+$0x0] =	vst v8  }
0x64: {  	v8 =	vor.u32 v3, v12;
	[tilespmem:s3+$0x30] =	vst v9  }
0x65: {  	v58 =	vor.u32 v1, v12;
	[tilespmem:s3+$0x10] =	vst v10  }
0x66: {  	[tilespmem:s3+$0x20] =	vst v11  }
0x67: {  	v10 =	vld.idx.msk [tilespmem:v13+s15+$0x0], $0xffff  }
0x68: {  	v11 =	vld.idx.msk [tilespmem:v14+s15+$0x0], $0xffff  }
0x69: {  	v8 =	vld.idx.msk [tilespmem:v8+s15+$0x0], $0xffff  }
0x6a: {  	v9 =	vld.idx.msk [tilespmem:v58+s15+$0x0], $0xffff  }
0x6b: {  	s26 =	sadd.s32 $0x80, s7;
	v59 =	vor.u32 v4, v12  }
0x6c: {  	v60 =	vor.u32 v7, v12;
	[tilespmem:s26+$0xFFFFFFC0] =	vst v10  }
0x6d: {  	v61 =	vor.u32 v5, v12;
	[tilespmem:s26+$0xFFFFFFE0] =	vst v11  }
0x6e: {  	v12 =	vor.u32 v6, v12;
	[tilespmem:s26+$0xFFFFFFF0] =	vst v8  }
0x6f: {  	[tilespmem:s26+$0xFFFFFFD0] =	vst v9  }
0x70: {  	v8 =	vld.idx.msk [tilespmem:v59+s15+$0x0], $0xffff  }
0x71: {  	v9 =	vld.idx.msk [tilespmem:v60+s15+$0x0], $0xffff  }
0x72: {  	v62 =	vld.idx.msk [tilespmem:v61+s15+$0x0], $0xffff  }
0x73: {  	v63 =	vld.idx.msk [tilespmem:v12+s15+$0x0], $0xffff  }
0x74: {  	p1 =	sne.s32 s17, $0xC  }
.Ltmp5:
0x75: {  	s6 =	sshll.u32 s17, $0x14;
	[tilespmem:s26+$0x0] =	vst v8;
	(pc) =	sbr.rel @p1 .LBB2_6-.Ltmp5, $4  }
0x76: {  	s6 =	sor.u32 s4, s6;
	[tilespmem:s26+$0x30] =	vst v9  }
0x77: {  	s7 =	sshrl.u32 s6, $0x3;
	[tilespmem:s26+$0x10] =	vst v62  }
0x78: {  	s28 =	sadd.s32 s2, s7;
	[tilespmem:s26+$0x20] =	vst v63  }
0x79: {  	[hbm4b:s28+s10] =	stream.strided.scatter [tilespmem:s22], [sflag:$0x5], $0x2000, s11, s10, $0x38;
	[tilespmem:$0x19C00] =	vst v63  }
.Ltmp6:
0x7a: {  	(pc) =	sbr.rel .LBB2_7-.Ltmp6, $4  }
0x7b: {  	_ = 	snop  }
0x7c: {  	_ =	swait.ge [sflag:s23], $0x4000  }
0x7d: {  	[sflag:s23] =	ssyncset.done $0x0  }
0x7e: {  	[sflag:s23] =	ssyncadd.s32 $0xFFFFC000  }
.LBB2_6:
0x7f: {  	s3 =	sshll.u32 s17, $0x9  }
0x80: {  	s3 =	sand.u32 $0x3FFFFE00, s3  }
.Ltmp7:
0x81: {  	s3 =	sadd.s32 $0x200, s3;
	(pc) =	sbr.rel @p0 .LBB2_8-.Ltmp7, $4  }
0x82: {  	[tilespmem:s15], [sflag:$0x1] =	stream.indirect.gather [hbm4b:s5+s14], $0x80, s3, s14, $0xb8;
	[tilespmem:$0x19C00] =	vst v63  }
0x83: {  	_ =	swait.ge [sflag:s23], $0x4000  }
0x84: {  	[sflag:s23] =	ssyncset.done $0x0  }
0x85: {  	[sflag:s23] =	ssyncadd.s32 $0xFFFFC000  }
.LBB2_7:
0x86: {  	_ =	swait.ge [sflag:s24], $0x2000  }
0x87: {  	[sflag:s24] =	ssyncset.done $0x0  }
0x88: {  	[sflag:s24] =	ssyncadd.s32 $0xFFFFE000  }
.LBB2_8:
0x89: {  	s3 =	simm.s32 $0x0  }
0x8a: {  	v8 =	vmov s3  }
0x8b: {  	v8 =	vand.u32 $0x7F, v8  }
0x8c: {  	v10 =	vbroadcast v8, $0x0;
	_ =	sdelay $0x1  }
0x8d: {  	v8 =	vor.u32 v0, v10  }
0x8e: {  	v9 =	vor.u32 v2, v10  }
0x8f: {  	v11 =	vor.u32 v3, v10  }
0x90: {  	v12 =	vor.u32 v1, v10;
	_ =	sdelay $0x1  }
0x91: {  	v8 =	vld.idx.msk [tilespmem:v8+s16+$0x0], $0xffff  }
0x92: {  	v9 =	vld.idx.msk [tilespmem:v9+s16+$0x0], $0xffff  }
0x93: {  	v11 =	vld.idx.msk [tilespmem:v11+s16+$0x0], $0xffff  }
0x94: {  	v12 =	vld.idx.msk [tilespmem:v12+s16+$0x0], $0xffff  }
0x95: {  	s9 =	simm.s32 $0x13C70;
	v13 =	vor.u32 v4, v10  }
0x96: {  	v14 =	vor.u32 v7, v10;
	[tilespmem:s9+$0xFFFFFF90] =	vst v8  }
0x97: {  	v15 =	vor.u32 v5, v10;
	[tilespmem:s9+$0xFFFFFFB0] =	vst v9  }
0x98: {  	[tilespmem:s9+$0xFFFFFFC0] =	vst v11  }
0x99: {  	[tilespmem:s9+$0xFFFFFFA0] =	vst v12;
	v11 =	vor.u32 v6, v10  }
0x9a: {  	s28 =	simm.s32 $0x1;
	v8 =	vld.idx.msk [tilespmem:v13+s16+$0x0], $0xffff  }
0x9b: {  	v12 =	vmov s28;
	v9 =	vld.idx.msk [tilespmem:v14+s16+$0x0], $0xffff  }
0x9c: {  	s6 =	simm.s32 $0x2;
	s3 =	simm.s32 $0x13C70;
	v12 =	vand.u32 $0x7F, v12;
	v10 =	vld.idx.msk [tilespmem:v15+s16+$0x0], $0xffff  }
.LBB2_9:
0x9d: {  	p1 =	sne.s32 s6, $0x3F  }
0x9e: {  	v12 =	vbroadcast v12, $0x0;
	v11 =	vld.idx.msk [tilespmem:v11+s16+$0x0], $0xffff;
	s9 =	sadd.s32 $0x80, s9;
	s13 =	smov.u32 s6;
	s6 =	sadd.s32 $0x1, s6  }
0x9f: {  	_ = 	snop  }
0xa0: {  	v13 =	vor.u32 v0, v12;
	v14 =	vor.u32 v1, v12;
	v15 =	vor.u32 v2, v12  }
0xa1: {  	v16 =	vor.u32 v3, v12;
	[tilespmem:s3+$0xFFFFFFD0] =	vst v8  }
0xa2: {  	[tilespmem:s3+$0x0] =	vst v9  }
0xa3: {  	[tilespmem:s3+$0xFFFFFFE0] =	vst v10  }
0xa4: {  	[tilespmem:s3+$0xFFFFFFF0] =	vst v11;
	s3 =	smov.u32 s9  }
0xa5: {  	v8 =	vld.idx.msk [tilespmem:v13+s16+$0x0], $0xffff  }
0xa6: {  	v9 =	vld.idx.msk [tilespmem:v15+s16+$0x0], $0xffff  }
0xa7: {  	v10 =	vld.idx.msk [tilespmem:v16+s16+$0x0], $0xffff  }
0xa8: {  	v13 =	vld.idx.msk [tilespmem:v14+s16+$0x0], $0xffff;
	_ =	sdelay $0x1  }
0xa9: {  	v14 =	vor.u32 v4, v12  }
0xaa: {  	v15 =	vor.u32 v7, v12;
	[tilespmem:s9+$0xFFFFFF90] =	vst v8  }
0xab: {  	v11 =	vor.u32 v6, v12;
	v16 =	vor.u32 v5, v12;
	[tilespmem:s9+$0xFFFFFFB0] =	vst v9  }
.Ltmp8:
0xac: {  	[tilespmem:s9+$0xFFFFFFC0] =	vst v10;
	(pc) =	sbr.rel @p1 .LBB2_9-.Ltmp8, $4  }
0xad: {  	[tilespmem:s9+$0xFFFFFFA0] =	vst v13  }
0xae: {  	v8 =	vld.idx.msk [tilespmem:v14+s16+$0x0], $0xffff  }
0xaf: {  	v10 =	vmov s13;
	v9 =	vld.idx.msk [tilespmem:v15+s16+$0x0], $0xffff  }
0xb0: {  	v12 =	vand.u32 $0x7F, v10;
	v10 =	vld.idx.msk [tilespmem:v16+s16+$0x0], $0xffff  }
0xb1: {  	_ =	sdelay $0x2  }
0xb2: {  	v12 =	vbroadcast v12, $0x0  }
0xb3: {  	v11 =	vld.idx.msk [tilespmem:v11+s16+$0x0], $0xffff  }
0xb4: {  	v13 =	vor.u32 v0, v12  }
0xb5: {  	v14 =	vor.u32 v2, v12;
	[tilespmem:s3+$0xFFFFFFD0] =	vst v8  }
0xb6: {  	v8 =	vor.u32 v3, v12;
	[tilespmem:s3+$0x0] =	vst v9  }
0xb7: {  	v58 =	vor.u32 v1, v12;
	[tilespmem:s3+$0xFFFFFFE0] =	vst v10  }
0xb8: {  	[tilespmem:s3+$0xFFFFFFF0] =	vst v11  }
0xb9: {  	v10 =	vld.idx.msk [tilespmem:v13+s16+$0x0], $0xffff  }
0xba: {  	v11 =	vld.idx.msk [tilespmem:v14+s16+$0x0], $0xffff  }
0xbb: {  	v8 =	vld.idx.msk [tilespmem:v8+s16+$0x0], $0xffff  }
0xbc: {  	v9 =	vld.idx.msk [tilespmem:v58+s16+$0x0], $0xffff  }
0xbd: {  	s26 =	sadd.s32 $0x80, s9;
	v59 =	vor.u32 v4, v12  }
0xbe: {  	v60 =	vor.u32 v7, v12;
	[tilespmem:s26+$0xFFFFFF90] =	vst v10  }
0xbf: {  	v61 =	vor.u32 v5, v12;
	[tilespmem:s26+$0xFFFFFFB0] =	vst v11  }
0xc0: {  	v12 =	vor.u32 v6, v12;
	[tilespmem:s26+$0xFFFFFFC0] =	vst v8  }
0xc1: {  	[tilespmem:s26+$0xFFFFFFA0] =	vst v9  }
0xc2: {  	v8 =	vld.idx.msk [tilespmem:v59+s16+$0x0], $0xffff  }
0xc3: {  	v9 =	vld.idx.msk [tilespmem:v60+s16+$0x0], $0xffff  }
0xc4: {  	v62 =	vld.idx.msk [tilespmem:v61+s16+$0x0], $0xffff  }
0xc5: {  	v63 =	vld.idx.msk [tilespmem:v12+s16+$0x0], $0xffff  }
0xc6: {  	p1 =	seq.s32 s17, $0xC  }
.Ltmp9:
0xc7: {  	[tilespmem:s26+$0xFFFFFFD0] =	vst v8;
	(pc) =	sbr.rel @p1 .LBB2_20-.Ltmp9, $4  }
0xc8: {  	[tilespmem:s26+$0x0] =	vst v9  }
0xc9: {  	[tilespmem:s26+$0xFFFFFFE0] =	vst v62  }
0xca: {  	s28 =	sadd.s32 s7, s8;
	[tilespmem:s26+$0xFFFFFFF0] =	vst v63  }
0xcb: {  	[hbm4b:s28+s10] =	stream.strided.scatter [tilespmem:s25], [sflag:$0x6], $0x2000, s11, s10, $0x38;
	[tilespmem:$0x19C00] =	vst v63  }
0xcc: {  	s9 =	sor.u32 $0x2, s19  }
0xcd: {  	p1 =	sgt.u32 s9, $0x31  }
.Ltmp10:
0xce: {  	_ = 	snop;
	(pc) =	sbr.rel @p1 .LBB2_15-.Ltmp10, $4  }
0xcf: {  	s3 =	sshll.u32 s17, $0x9  }
0xd0: {  	s7 =	sand.u32 $0x3FFFFE00, s3  }
0xd1: {  	s3 =	sadd.s32 $0x280, s7  }
0xd2: {  	[tilespmem:s16], [sflag:$0x2] =	stream.indirect.gather [hbm4b:s5+s14], $0x80, s3, s14, $0xb8;
	[tilespmem:$0x19C00] =	vst v63  }
0xd3: {  	s3 =	simm.s32 $0x0  }
0xd4: {  	v8 =	vmov s3  }
0xd5: {  	v8 =	vand.u32 $0x7F, v8  }
0xd6: {  	v10 =	vbroadcast v8, $0x0  }
0xd7: {  	_ =	swait.ge [sflag:s30], $0x4000  }
0xd8: {  	[sflag:s30] =	ssyncset.done $0x0;
	v8 =	vor.u32 v0, v10  }
0xd9: {  	s3 =	simm.s32 @!p0 $0x7;
	[sflag:s30] =	ssyncadd.s32 $0xFFFFC000;
	v9 =	vor.u32 v2, v10  }
0xda: {  	_ =	swait.ge @!p0 [sflag:s3], $0x2000;
	v11 =	vor.u32 v3, v10  }
0xdb: {  	[sflag:s3] =	ssyncset.done @!p0 $0x0;
	v12 =	vor.u32 v1, v10  }
0xdc: {  	[sflag:s3] =	ssyncadd.s32 @!p0 $0xFFFFE000  }
0xdd: {  	v8 =	vld.idx.msk [tilespmem:v8+s18+$0x0], $0xffff  }
0xde: {  	v9 =	vld.idx.msk [tilespmem:v9+s18+$0x0], $0xffff  }
0xdf: {  	v11 =	vld.idx.msk [tilespmem:v11+s18+$0x0], $0xffff  }
0xe0: {  	v12 =	vld.idx.msk [tilespmem:v12+s18+$0x0], $0xffff  }
0xe1: {  	s3 =	simm.s32 $0x0;
	v13 =	vor.u32 v4, v10  }
0xe2: {  	v14 =	vor.u32 v7, v10;
	[tilespmem:s3+$0x15C00] =	vst v8  }
0xe3: {  	v15 =	vor.u32 v5, v10;
	[tilespmem:s3+$0x15C20] =	vst v9  }
0xe4: {  	[tilespmem:s3+$0x15C30] =	vst v11;
	v11 =	vor.u32 v6, v10  }
0xe5: {  	[tilespmem:s3+$0x15C10] =	vst v12  }
0xe6: {  	s13 =	simm.s32 $0x1;
	v8 =	vld.idx.msk [tilespmem:v13+s18+$0x0], $0xffff  }
0xe7: {  	v12 =	vmov s13;
	v9 =	vld.idx.msk [tilespmem:v14+s18+$0x0], $0xffff  }
0xe8: {  	s6 =	simm.s32 $0x200;
	s26 =	simm.s32 $0x400;
	v12 =	vand.u32 $0x7F, v12;
	v10 =	vld.idx.msk [tilespmem:v15+s18+$0x0], $0xffff  }
.LBB2_13:
0xe9: {  	p1 =	sne.s32 s26, $0x7E00;
	v12 =	vbroadcast v12, $0x0;
	v11 =	vld.idx.msk [tilespmem:v11+s18+$0x0], $0xffff;
	s28 =	smov.u32 s26;
	s26 =	sadd.s32 $0x200, s26  }
0xea: {  	_ = 	snop  }
0xeb: {  	v13 =	vor.u32 v0, v12;
	v14 =	vor.u32 v1, v12;
	v15 =	vor.u32 v2, v12  }
0xec: {  	v16 =	vor.u32 v3, v12;
	[tilespmem:s3+$0x15C40] =	vst v8  }
0xed: {  	[tilespmem:s3+$0x15C70] =	vst v9  }
0xee: {  	[tilespmem:s3+$0x15C50] =	vst v10  }
0xef: {  	[tilespmem:s3+$0x15C60] =	vst v11  }
0xf0: {  	v8 =	vld.idx.msk [tilespmem:v13+s18+$0x0], $0xffff  }
0xf1: {  	v9 =	vld.idx.msk [tilespmem:v15+s18+$0x0], $0xffff  }
0xf2: {  	v10 =	vld.idx.msk [tilespmem:v16+s18+$0x0], $0xffff  }
0xf3: {  	v13 =	vld.idx.msk [tilespmem:v14+s18+$0x0], $0xffff;
	_ =	sdelay $0x1  }
0xf4: {  	s3 =	sshra.s32 s6, $0x2;
	s6 =	smov.u32 s28;
	v14 =	vor.u32 v4, v12  }
0xf5: {  	v15 =	vor.u32 v7, v12;
	[tilespmem:s3+$0x15C00] =	vst v8  }
0xf6: {  	v11 =	vor.u32 v6, v12;
	v16 =	vor.u32 v5, v12;
	[tilespmem:s3+$0x15C20] =	vst v9  }
.Ltmp11:
0xf7: {  	[tilespmem:s3+$0x15C30] =	vst v10;
	(pc) =	sbr.rel @p1 .LBB2_13-.Ltmp11, $4  }
0xf8: {  	[tilespmem:s3+$0x15C10] =	vst v13  }
0xf9: {  	s13 =	sadd.s32 $0x1, s13;
	v8 =	vld.idx.msk [tilespmem:v14+s18+$0x0], $0xffff  }
0xfa: {  	v10 =	vmov s13;
	v9 =	vld.idx.msk [tilespmem:v15+s18+$0x0], $0xffff  }
0xfb: {  	v12 =	vand.u32 $0x7F, v10;
	v10 =	vld.idx.msk [tilespmem:v16+s18+$0x0], $0xffff  }
0xfc: {  	_ =	sdelay $0x2  }
0xfd: {  	v12 =	vbroadcast v12, $0x0  }
0xfe: {  	v11 =	vld.idx.msk [tilespmem:v11+s18+$0x0], $0xffff  }
0xff: {  	v13 =	vor.u32 v0, v12  }
0x100: {  	v14 =	vor.u32 v2, v12;
	[tilespmem:s3+$0x15C40] =	vst v8  }
0x101: {  	v8 =	vor.u32 v3, v12;
	[tilespmem:s3+$0x15C70] =	vst v9  }
0x102: {  	v58 =	vor.u32 v1, v12;
	[tilespmem:s3+$0x15C50] =	vst v10  }
0x103: {  	[tilespmem:s3+$0x15C60] =	vst v11  }
0x104: {  	v10 =	vld.idx.msk [tilespmem:v13+s18+$0x0], $0xffff  }
0x105: {  	v11 =	vld.idx.msk [tilespmem:v14+s18+$0x0], $0xffff  }
0x106: {  	v8 =	vld.idx.msk [tilespmem:v8+s18+$0x0], $0xffff  }
0x107: {  	v9 =	vld.idx.msk [tilespmem:v58+s18+$0x0], $0xffff  }
0x108: {  	s13 =	sshra.s32 s6, $0x2;
	v59 =	vor.u32 v4, v12  }
0x109: {  	v60 =	vor.u32 v7, v12;
	[tilespmem:s13+$0x15C00] =	vst v10  }
0x10a: {  	v61 =	vor.u32 v5, v12;
	[tilespmem:s13+$0x15C20] =	vst v11  }
0x10b: {  	v12 =	vor.u32 v6, v12;
	[tilespmem:s13+$0x15C30] =	vst v8  }
0x10c: {  	[tilespmem:s13+$0x15C10] =	vst v9  }
0x10d: {  	v8 =	vld.idx.msk [tilespmem:v59+s18+$0x0], $0xffff  }
0x10e: {  	v9 =	vld.idx.msk [tilespmem:v60+s18+$0x0], $0xffff  }
0x10f: {  	v62 =	vld.idx.msk [tilespmem:v61+s18+$0x0], $0xffff  }
0x110: {  	v63 =	vld.idx.msk [tilespmem:v12+s18+$0x0], $0xffff;
	_ =	sdelay $0x1  }
0x111: {  	s26 =	sshll.u32 s9, $0x12;
	[tilespmem:s13+$0x15C40] =	vst v8  }
0x112: {  	s6 =	sor.u32 s4, s26;
	[tilespmem:s13+$0x15C70] =	vst v9  }
0x113: {  	s6 =	sshrl.u32 s6, $0x3;
	[tilespmem:s13+$0x15C50] =	vst v62  }
0x114: {  	p1 =	sgt.u32 s17, $0xA;
	s28 =	sadd.s32 s2, s6;
	[tilespmem:s13+$0x15C60] =	vst v63  }
0x115: {  	[hbm4b:s28+s10] =	stream.strided.scatter [tilespmem:s31], [sflag:$0x7], $0x2000, s11, s10, $0x38;
	[tilespmem:$0x19C00] =	vst v63  }
0x116: {  	s9 =	simm.s32 @!p1 $0x9C00;
	s6 =	simm.s32 @!p1 $0x80;
	s3 =	sadd.s32 @!p1 $0x300, s7  }
0x117: {  	[tilespmem:s9], [sflag:$0x3] =	stream.indirect.gather @!p1 [hbm4b:s5+s6], $0x80, s3, s6, $0xb8;
	[tilespmem:$0x19C00] =	vst v63  }
.LBB2_15:
0x118: {  	s9 =	sor.u32 $0x3, s19  }
0x119: {  	p1 =	sgt.u32 s9, $0x31  }
.Ltmp12:
0x11a: {  	_ = 	snop;
	(pc) =	sbr.rel @p1 .LBB2_19-.Ltmp12, $1  }
0x11b: {  	_ =	sdelay $0x3  }
0x11c: {  	s3 =	simm.s32 $0x0  }
0x11d: {  	v8 =	vmov s3  }
0x11e: {  	v8 =	vand.u32 $0x7F, v8  }
0x11f: {  	v10 =	vbroadcast v8, $0x0  }
0x120: {  	_ =	swait.ge [sflag:s0], $0x4000  }
0x121: {  	[sflag:s0] =	ssyncset.done $0x0;
	v8 =	vor.u32 v0, v10  }
0x122: {  	s3 =	simm.s32 @!p0 $0x8;
	[sflag:s0] =	ssyncadd.s32 $0xFFFFC000;
	v9 =	vor.u32 v2, v10  }
0x123: {  	_ =	swait.ge @!p0 [sflag:s3], $0x2000;
	v11 =	vor.u32 v3, v10  }
0x124: {  	[sflag:s3] =	ssyncset.done @!p0 $0x0;
	v12 =	vor.u32 v1, v10  }
0x125: {  	[sflag:s3] =	ssyncadd.s32 @!p0 $0xFFFFE000  }
0x126: {  	v8 =	vld.idx.msk [tilespmem:v8+s20+$0x0], $0xffff  }
0x127: {  	v9 =	vld.idx.msk [tilespmem:v9+s20+$0x0], $0xffff  }
0x128: {  	v11 =	vld.idx.msk [tilespmem:v11+s20+$0x0], $0xffff  }
0x129: {  	v12 =	vld.idx.msk [tilespmem:v12+s20+$0x0], $0xffff  }
0x12a: {  	s3 =	simm.s32 $0x0;
	v13 =	vor.u32 v4, v10  }
0x12b: {  	v14 =	vor.u32 v7, v10;
	[tilespmem:s3+$0x17C00] =	vst v8  }
0x12c: {  	v15 =	vor.u32 v5, v10;
	[tilespmem:s3+$0x17C20] =	vst v9  }
0x12d: {  	[tilespmem:s3+$0x17C30] =	vst v11;
	v11 =	vor.u32 v6, v10  }
0x12e: {  	[tilespmem:s3+$0x17C10] =	vst v12  }
0x12f: {  	s13 =	simm.s32 $0x1;
	v8 =	vld.idx.msk [tilespmem:v13+s20+$0x0], $0xffff  }
0x130: {  	v12 =	vmov s13;
	v9 =	vld.idx.msk [tilespmem:v14+s20+$0x0], $0xffff  }
0x131: {  	s6 =	simm.s32 $0x200;
	s19 =	simm.s32 $0x400;
	v12 =	vand.u32 $0x7F, v12;
	v10 =	vld.idx.msk [tilespmem:v15+s20+$0x0], $0xffff  }
.LBB2_17:
0x132: {  	p0 =	sne.s32 s19, $0x7E00;
	v12 =	vbroadcast v12, $0x0;
	v11 =	vld.idx.msk [tilespmem:v11+s20+$0x0], $0xffff;
	s26 =	smov.u32 s19;
	s19 =	sadd.s32 $0x200, s19  }
0x133: {  	_ = 	snop  }
0x134: {  	v13 =	vor.u32 v0, v12;
	v14 =	vor.u32 v1, v12;
	v15 =	vor.u32 v2, v12  }
0x135: {  	v16 =	vor.u32 v3, v12;
	[tilespmem:s3+$0x17C40] =	vst v8  }
0x136: {  	[tilespmem:s3+$0x17C70] =	vst v9  }
0x137: {  	[tilespmem:s3+$0x17C50] =	vst v10  }
0x138: {  	[tilespmem:s3+$0x17C60] =	vst v11  }
0x139: {  	v8 =	vld.idx.msk [tilespmem:v13+s20+$0x0], $0xffff  }
0x13a: {  	v9 =	vld.idx.msk [tilespmem:v15+s20+$0x0], $0xffff  }
0x13b: {  	v10 =	vld.idx.msk [tilespmem:v16+s20+$0x0], $0xffff  }
0x13c: {  	v13 =	vld.idx.msk [tilespmem:v14+s20+$0x0], $0xffff;
	_ =	sdelay $0x1  }
0x13d: {  	s3 =	sshra.s32 s6, $0x2;
	s6 =	smov.u32 s26;
	v14 =	vor.u32 v4, v12  }
0x13e: {  	v15 =	vor.u32 v7, v12;
	[tilespmem:s3+$0x17C00] =	vst v8  }
0x13f: {  	v11 =	vor.u32 v6, v12;
	v16 =	vor.u32 v5, v12;
	[tilespmem:s3+$0x17C20] =	vst v9  }
.Ltmp13:
0x140: {  	[tilespmem:s3+$0x17C30] =	vst v10;
	(pc) =	sbr.rel @p0 .LBB2_17-.Ltmp13, $4  }
0x141: {  	[tilespmem:s3+$0x17C10] =	vst v13  }
0x142: {  	s13 =	sadd.s32 $0x1, s13;
	v8 =	vld.idx.msk [tilespmem:v14+s20+$0x0], $0xffff  }
0x143: {  	v10 =	vmov s13;
	v9 =	vld.idx.msk [tilespmem:v15+s20+$0x0], $0xffff  }
0x144: {  	v12 =	vand.u32 $0x7F, v10;
	v10 =	vld.idx.msk [tilespmem:v16+s20+$0x0], $0xffff  }
0x145: {  	_ =	sdelay $0x2  }
0x146: {  	v12 =	vbroadcast v12, $0x0  }
0x147: {  	v11 =	vld.idx.msk [tilespmem:v11+s20+$0x0], $0xffff  }
0x148: {  	v13 =	vor.u32 v0, v12  }
0x149: {  	v14 =	vor.u32 v2, v12;
	[tilespmem:s3+$0x17C40] =	vst v8  }
0x14a: {  	v8 =	vor.u32 v3, v12;
	[tilespmem:s3+$0x17C70] =	vst v9  }
0x14b: {  	v58 =	vor.u32 v1, v12;
	[tilespmem:s3+$0x17C50] =	vst v10  }
0x14c: {  	[tilespmem:s3+$0x17C60] =	vst v11  }
0x14d: {  	v10 =	vld.idx.msk [tilespmem:v13+s20+$0x0], $0xffff  }
0x14e: {  	v11 =	vld.idx.msk [tilespmem:v14+s20+$0x0], $0xffff  }
0x14f: {  	v8 =	vld.idx.msk [tilespmem:v8+s20+$0x0], $0xffff  }
0x150: {  	v9 =	vld.idx.msk [tilespmem:v58+s20+$0x0], $0xffff  }
0x151: {  	s19 =	sshra.s32 s6, $0x2;
	v59 =	vor.u32 v4, v12  }
0x152: {  	v60 =	vor.u32 v7, v12;
	[tilespmem:s19+$0x17C00] =	vst v10  }
0x153: {  	v61 =	vor.u32 v5, v12;
	[tilespmem:s19+$0x17C20] =	vst v11  }
0x154: {  	v12 =	vor.u32 v6, v12;
	[tilespmem:s19+$0x17C30] =	vst v8  }
0x155: {  	[tilespmem:s19+$0x17C10] =	vst v9  }
0x156: {  	v8 =	vld.idx.msk [tilespmem:v59+s20+$0x0], $0xffff  }
0x157: {  	v9 =	vld.idx.msk [tilespmem:v60+s20+$0x0], $0xffff  }
0x158: {  	v62 =	vld.idx.msk [tilespmem:v61+s20+$0x0], $0xffff  }
0x159: {  	v63 =	vld.idx.msk [tilespmem:v12+s20+$0x0], $0xffff;
	_ =	sdelay $0x1  }
0x15a: {  	s26 =	sshll.u32 s9, $0x12;
	[tilespmem:s19+$0x17C40] =	vst v8  }
0x15b: {  	s6 =	sor.u32 s4, s26;
	[tilespmem:s19+$0x17C70] =	vst v9  }
.Ltmp14:
0x15c: {  	s6 =	sshrl.u32 s6, $0x3;
	[tilespmem:s19+$0x17C50] =	vst v62;
	(pc) =	sbr.rel .LBB2_19-.Ltmp14, $4  }
0x15d: {  	p0 =	sgt.u32 s17, $0xA;
	s28 =	sadd.s32 s2, s6;
	[tilespmem:s19+$0x17C60] =	vst v63  }
0x15e: {  	[hbm4b:s28+s10] =	stream.strided.scatter [tilespmem:s1], [sflag:$0x8], $0x2000, s11, s10, $0x38;
	[tilespmem:$0x19C00] =	vst v63  }
0x15f: {  	s6 =	simm.s32 @!p0 $0x80;
	s3 =	sadd.s32 @!p0 $0x380, s7;
	s7 =	simm.s32 @!p0 $0xDC00  }
0x160: {  	[tilespmem:s7], [sflag:$0x4] =	stream.indirect.gather @!p0 [hbm4b:s5+s6], $0x80, s3, s6, $0xb8;
	[tilespmem:$0x19C00] =	vst v63  }
.LBB2_21:
0x161: {  	_ =	sfence.sel $0x180000  }
0x162: {  	[bflag:$0x0] =	sbarrier.arrive $0xFFFF  }
0x163: {  	_ =	strace $0x90000047  }
0x164: {  	s0 =	stileid.u32;
	[bflag:$0x2] =	sbarrier.arrive $0xFFFF  }
0x165: {  	p0 =	sne.s32 s0, $0x0;
	s0 =	rddreg [dreg:$0x3]  }
0x166: {  	s0 =	sadd.s32 @!p0 $0x100000, s0  }
0x167: {  	[sflag:s0] =	ssyncadd.tile.s32 @!p0 $0x1;
	_ =	shalt  }
.Lfunc_end2:
_tile_overlayer_lowered:
.L_overlay_start_2:
0x168: {  	(tag) =	ssettag $0x2  }
0x169: {  	s0 =	rddreg [dreg:$0x0];
	s2 =	stileid.u32  }
0x16a: {  	s1 =	rddreg [dreg:$0x1];
	p0 =	sne.s32 s2, $0x0  }
0x16b: {  	s3 =	rddreg [dreg:$0x2];
	[bflag:$0x3] =	sbarrier.arrive $0xFFFF;
	s2 =	simm.s32 @!p0 $0x1C09  }
0x16c: {  	[timem:s3], [sflag:s2] =	dma.local @!p0 [hbm:s0], s1  }
0x16d: {  	s0 =	simm.s32 @!p0 $0x9  }
0x16e: {  	_ =	swait.ge @!p0 [sflag:s0], s1  }
0x16f: {  	s1 =	ssub.s32 @!p0 $0x0, s1;
	[sflag:s0] =	ssyncset.done @!p0 $0x0  }
0x170: {  	[sflag:s0] =	ssyncadd.s32 @!p0 s1  }
0x171: {  	[bflag:$0x3] =	sbarrier.arrive $0xFFFF  }
0x172: {  	_ =	shalt  }

</sc_bundles>
